<compile_context>
chip_gen: v7x
topology: tpu7x:2x2x1
jax: 0.10.2.dev20260603
libtpu: 0.0.44.dev20260713+nightly
codegen_flags: <defaults>
</compile_context>

<pallas_src>
import numpy as np
import jax
import jax.numpy as jnp
from jax import lax
from jax.experimental import pallas as pl
from jax.experimental.pallas import tpu as pltpu
from jax.experimental.pallas import tpu_sc as plsc

_N = 262144
_L = 16
_F = 2
_T = 1 << 19
_TM1 = _T - 1
_BASE = 16
_SCALE = np.exp2(np.log2(2048.0 / 16.0) / 15.0)
_RES = [int(np.floor(_BASE * (_SCALE ** l))) for l in range(_L)]
_P1 = np.uint32(2654435761).view(np.int32)
_P2 = np.int32(805459861)

_OFFS = np.array([[i, j, k] for i in (0, 1) for j in (0, 1) for k in (0, 1)],
                 dtype=np.int32)

_DENSE = np.array([(r + 2) ** 3 <= _T for r in _RES])
_res128_f = np.repeat(np.array(_RES, np.float32), 8)[None, :]
_mask128 = np.repeat(_DENSE, 8)[None, :]
_s1_128 = np.where(np.repeat(_DENSE, 8),
                   np.repeat(np.array([r + 1 for r in _RES], np.int64), 8),
                   np.int64(_P1)).astype(np.int32)[None, :]
_s2_128 = np.where(np.repeat(_DENSE, 8),
                   np.repeat(np.array([(r + 1) ** 2 for r in _RES], np.int64), 8),
                   np.int64(_P2)).astype(np.int32)[None, :]
_lT_128 = np.repeat(np.arange(_L, dtype=np.int64) * _T, 8).astype(np.int32)[None, :]
_off128 = [np.tile(_OFFS[:, d], _L).astype(np.int32)[None, :] for d in range(3)]

_IC = np.concatenate(
    [_s1_128, _s2_128, _lT_128, _mask128.astype(np.int32)] + _off128
    + [np.zeros((1, 128), np.int32)], axis=0)
_FC_IDX = np.concatenate(
    [_res128_f] + [np.zeros((7, 128), np.float32)], axis=0)

_res256_f = np.repeat(_res128_f[0], 2)[None, :]
_off256_f = [np.repeat(_off128[d][0], 2).astype(np.float32)[None, :]
             for d in range(3)]
_FC_MLP = np.concatenate(
    [_res256_f] + _off256_f + [np.zeros((4, 256), np.float32)], axis=0)

_BN_IDX = 2048
_BN_MLP = 2048


def _idx_body(x_ref, ic_ref, fc_ref, o_ref):
    x = x_ref[...]
    res = fc_ref[0:1, :]
    cs = []
    for d in range(3):
        pos = x[:, d:d + 1] * res
        c = jnp.floor(pos).astype(jnp.int32) + ic_ref[4 + d:5 + d, :]
        cs.append(c)
    m1 = cs[1] * ic_ref[0:1, :]
    m2 = cs[2] * ic_ref[1:2, :]
    idx = jnp.where(ic_ref[3:4, :] > 0, cs[0] + m1 + m2, cs[0] ^ m1 ^ m2)
    o_ref[...] = (idx & _TM1) + ic_ref[2:3, :]


def _softplus(v):
    return jnp.maximum(v, 0.0) + jnp.log1p(jnp.exp(-jnp.abs(v)))


def _mlp_body(x_ref, g_ref, fc_ref, w0_ref, w1_ref, w2_ref, w3_ref, o_ref):
    x = x_ref[...]
    res = fc_ref[0:1, :]
    w = None
    for d in range(3):
        pos = x[:, d:d + 1] * res
        frac = pos - jnp.floor(pos)
        off = fc_ref[1 + d:2 + d, :]
        wd = off * frac + (1.0 - off) * (1.0 - frac)
        w = wd if w is None else w * wd
    h = g_ref[...] * w
    h = _softplus(jnp.dot(h, w0_ref[...], preferred_element_type=jnp.float32))
    h = _softplus(jnp.dot(h, w1_ref[...], preferred_element_type=jnp.float32))
    h = _softplus(jnp.dot(h, w2_ref[...], preferred_element_type=jnp.float32))
    o_ref[...] = jnp.dot(h, w3_ref[...], preferred_element_type=jnp.float32)


_NC = 2
_NS = 16
_NW = _NC * _NS
_K = 16
_ROWS_W = _N // _NW
_S = _ROWS_W // _K


def _gather_body(tab_hbm, idx_hbm, out_hbm, idx_v, rows_v, sem):
    c = lax.axis_index("c")
    s = lax.axis_index("s")
    wid = s * _NC + c
    row0 = wid * _ROWS_W

    @pl.loop(0, _S)
    def _step(st):
        rbase = row0 + st * _K
        pltpu.sync_copy(idx_hbm.at[pl.ds(rbase, _K)], idx_v)
        cps = [
            pltpu.async_copy(tab_hbm.at[idx_v.at[j]],
                             rows_v.at[pl.ds(j * 128, 128)], sem)
            for j in range(_K)
        ]
        for cp in cps:
            cp.wait()
        pltpu.sync_copy(rows_v, out_hbm.at[pl.ds(rbase * 128, _K * 128)])


def _gather_call(tab_flat, idx):
    mesh = plsc.VectorSubcoreMesh(core_axis_name="c", subcore_axis_name="s")
    k = pl.kernel(
        _gather_body,
        out_type=jax.ShapeDtypeStruct((_N * 128, _F), jnp.float32),
        mesh=mesh,
        scratch_types=[
            pltpu.VMEM((_K, 128), jnp.int32),
            pltpu.VMEM((_K * 128, _F), jnp.float32),
            pltpu.SemaphoreType.DMA,
        ],
        compiler_params=pltpu.CompilerParams(use_tc_tiling_on_sc=False),
    )
    return k(tab_flat, idx)


def kernel(x, tables, W0, W1, W2, W3):
    tab_flat = tables.reshape(_L * _T, _F)

    idx = pl.pallas_call(
        _idx_body,
        grid=(_N // _BN_IDX,),
        in_specs=[
            pl.BlockSpec((_BN_IDX, 3), lambda i: (i, 0)),
            pl.BlockSpec((8, 128), lambda i: (0, 0)),
            pl.BlockSpec((8, 128), lambda i: (0, 0)),
        ],
        out_specs=pl.BlockSpec((_BN_IDX, 128), lambda i: (i, 0)),
        out_shape=jax.ShapeDtypeStruct((_N, 128), jnp.int32),
    )(x, jnp.asarray(_IC), jnp.asarray(_FC_IDX))

    g = _gather_call(tab_flat, idx).reshape(_N, 256)

    w0s = jnp.broadcast_to(
        W0.T.reshape(_L, 1, _F, 64), (_L, 8, _F, 64)).reshape(256, 64)

    out = pl.pallas_call(
        _mlp_body,
        grid=(_N // _BN_MLP,),
        in_specs=[
            pl.BlockSpec((_BN_MLP, 3), lambda i: (i, 0)),
            pl.BlockSpec((_BN_MLP, 256), lambda i: (i, 0)),
            pl.BlockSpec((8, 256), lambda i: (0, 0)),
            pl.BlockSpec((256, 64), lambda i: (0, 0)),
            pl.BlockSpec((64, 64), lambda i: (0, 0)),
            pl.BlockSpec((64, 64), lambda i: (0, 0)),
            pl.BlockSpec((64, 1), lambda i: (0, 0)),
        ],
        out_specs=pl.BlockSpec((_BN_MLP, 1), lambda i: (i, 0)),
        out_shape=jax.ShapeDtypeStruct((_N, 1), jnp.float32),
    )(x, g, jnp.asarray(_FC_MLP), w0s, W1.T, W2.T, W3.T)
    return out

# --- scband reference (transcript-rebuilt; emitter-appended) ---
"""Pipeline reference for scband-sdf-tcnn-54803782697193 (READ-ONLY COPY).

The authoritative reference and input builder live on the scoring server;
editing this copy changes nothing except your own understanding.
"""

import jax, jax.numpy as jnp
import numpy as np

N_PTS = 262144
N_LEVELS = 16
N_FEAT = 2
LOG2_T = 19
T = 2 ** LOG2_T
BASE_RES = 16
PER_LEVEL_SCALE = np.exp2(np.log2(2048.0 * 1 * 1 / 16) / (16 - 1))
RES = [int(np.floor(BASE_RES * (PER_LEVEL_SCALE ** l))) for l in range(N_LEVELS)]
P1 = np.uint32(2654435761)
P2 = np.uint32(805459861)
OFFSETS = np.array([[i, j, k] for i in (0, 1) for j in (0, 1) for k in (0, 1)], dtype=np.int32)  # [8,3]


def _corner_index(corners, res):
    # corners: int32 [N, 8, 3] grid vertex coords for one level
    if (res + 2) ** 3 <= T:
        # dense (collision-free) linear indexing, as tcnn does for coarse levels
        c = corners.astype(jnp.uint32)
        idx = c[..., 0] + c[..., 1] * jnp.uint32(res + 1) + c[..., 2] * jnp.uint32((res + 1) * (res + 1))
    else:
        # instant-ngp spatial hash: xor of coordinate * prime (prime for dim 0 is 1)
        c = corners.astype(jnp.uint32)
        idx = c[..., 0] ^ (c[..., 1] * P1) ^ (c[..., 2] * P2)
    return (idx & jnp.uint32(T - 1)).astype(jnp.int32)


def hashgrid_encode(x, tables):
    # x: [N, 3] in [0,1]; tables: [L, T, F]
    feats = []
    offs = jnp.asarray(OFFSETS)  # [8,3]
    for l in range(N_LEVELS):
        res = RES[l]
        pos = x * res
        p0 = jnp.floor(pos)
        frac = pos - p0  # [N,3]
        corners = p0.astype(jnp.int32)[:, None, :] + offs[None, :, :]  # [N,8,3]
        idx = _corner_index(corners, res)  # [N,8]
        f = tables[l][idx]  # gather -> [N,8,F]
        offs_f = offs.astype(x.dtype)  # [8,3]
        w = jnp.prod(offs_f[None, :, :] * frac[:, None, :] + (1.0 - offs_f[None, :, :]) * (1.0 - frac[:, None, :]), axis=-1)  # [N,8]
        feats.append(jnp.sum(f * w[..., None], axis=1))  # [N,F]
    return jnp.concatenate(feats, axis=-1)  # [N, L*F]


def mlp(h, W0, W1, W2, W3):
    # CutlassMLP: no bias, Softplus hidden activations, linear output
    h = jax.nn.softplus(h @ W0.T)
    h = jax.nn.softplus(h @ W1.T)
    h = jax.nn.softplus(h @ W2.T)
    return h @ W3.T  # [N,1]


def setup_inputs(seed: int = 0) -> dict:
    key = jax.random.key(seed)
    k_x, k_t, k0, k1, k2, k3 = jax.random.split(key, 6)
    x = jax.random.uniform(k_x, (N_PTS, 3), dtype=jnp.float32)
    tables = jax.random.uniform(k_t, (N_LEVELS, T, N_FEAT), dtype=jnp.float32, minval=-1e-4, maxval=1e-4)
    W0 = jax.random.normal(k0, (64, N_LEVELS * N_FEAT), dtype=jnp.float32) * (1.0 / np.sqrt(N_LEVELS * N_FEAT))
    W1 = jax.random.normal(k1, (64, 64), dtype=jnp.float32) * (1.0 / 8.0)
    W2 = jax.random.normal(k2, (64, 64), dtype=jnp.float32) * (1.0 / 8.0)
    W3 = jax.random.normal(k3, (1, 64), dtype=jnp.float32) * (1.0 / 8.0)
    return {"x": x, "tables": tables, "W0": W0, "W1": W1, "W2": W2, "W3": W3}


def reference(x, tables, W0, W1, W2, W3):
    enc = hashgrid_encode(x, tables)
    sdf = mlp(enc, W0, W1, W2, W3)
    return sdf

if __name__ == "__main__":
    import jax
    _d = setup_inputs()
    print(jax.jit(kernel)(*tuple(_d.values())))

</pallas_src>

<mosaic_0001>
#map = affine_map<(d0, d1) -> (0, 0)>
module attributes {stable_mosaic.version = 14 : i64} {
  func.func @_gather_body(%arg0: i32, %arg1: i32, %arg2: memref<8388608x2xf32, #tpu.memory_space<hbm>>, %arg3: memref<262144x128xi32, #tpu.memory_space<hbm>>, %arg4: memref<33554432x2xf32, #tpu.memory_space<hbm>>, %arg5: memref<16x128xi32, #tpu.memory_space<vmem>>, %arg6: memref<2048x2xf32, #tpu.memory_space<vmem>>, %arg7: memref<!tpu.dma_semaphore, #tpu.memory_space<semaphore_mem>>) attributes {dimension_semantics = [#tpu.dimension_semantics<core_parallel>, #tpu.dimension_semantics<subcore_parallel>], iteration_bounds = array<i64: 2, 16>, scalar_prefetch = 0 : i64, scratch_operands = 3 : i64, tpu.core_type = #tpu.core_type<sc_vector_subcore>, window_params = [{transform_indices = #map}, {transform_indices = #map}, {transform_indices = #map}]} {
    %mul3A = arith.constant 2 : i32
    %mul3A_0 = arith.muli %arg1, %mul3A : i32
    %add3A = arith.addi %mul3A_0, %arg0 : i32
    %mul3A_1 = arith.constant 8192 : i32
    %mul3A_2 = arith.muli %add3A, %mul3A_1 : i32
    %scan3A = arith.constant 0 : i32
    %scan3A_3 = arith.constant 512 : i32
    %scan3A_4 = arith.addi %scan3A, %scan3A_3 : i32
    %scan3A_5 = arith.constant 1 : i32
    scf.for %scan3A_7 = %scan3A to %scan3A_4 step %scan3A_5  : i32 {
      %mul3A_8 = arith.constant 1 : i32
      %mul3A_9 = arith.muli %scan3A_7, %mul3A_8 : i32
      %add3A_10 = arith.constant 0 : i32
      %add3A_11 = arith.addi %add3A_10, %mul3A_9 : i32
      %mul3A_12 = arith.constant 16 : i32
      %mul3A_13 = arith.muli %add3A_11, %mul3A_12 : i32
      %add3A_14 = arith.addi %mul3A_2, %mul3A_13 : i32
      "tpu.region"() ({
        %run_scoped3A = tpu.sem_alloc : memref<!tpu.dma_semaphore, #tpu.memory_space<semaphore_mem>>
        %dma_start3A_335 = arith.constant 0 : i32
        %dma_start3A_336 = tpu.memref_slice %arg3[%add3A_14, %dma_start3A_335] : memref<262144x128xi32, #tpu.memory_space<hbm>> -> memref<16x128xi32, #tpu.memory_space<hbm>>
        %dma_start3A_337 = arith.constant 0 : i32
        %dma_start3A_338 = tpu.memref_slice %arg3[%add3A_14, %dma_start3A_337] : memref<262144x128xi32, #tpu.memory_space<hbm>> -> memref<16x128xi32, #tpu.memory_space<hbm>>
        tpu.enqueue_dma source(%dma_start3A_338 : memref<16x128xi32, #tpu.memory_space<hbm>>) target(%arg5 : memref<16x128xi32, #tpu.memory_space<vmem>>) target_semaphore(%run_scoped3A : memref<!tpu.dma_semaphore, #tpu.memory_space<semaphore_mem>>)
        %dma_wait3A_339 = arith.constant 0 : i32
        %dma_wait3A_340 = tpu.memref_slice %arg3[%add3A_14, %dma_wait3A_339] : memref<262144x128xi32, #tpu.memory_space<hbm>> -> memref<16x128xi32, #tpu.memory_space<hbm>>
        %dma_wait3A_341 = arith.constant 0 : i32
        %dma_wait3A_342 = tpu.memref_slice %arg3[%add3A_14, %dma_wait3A_341] : memref<262144x128xi32, #tpu.memory_space<hbm>> -> memref<16x128xi32, #tpu.memory_space<hbm>>
        tpu.wait_dma2 semaphore(%run_scoped3A : memref<!tpu.dma_semaphore, #tpu.memory_space<semaphore_mem>>) src(%dma_wait3A_342 : memref<16x128xi32, #tpu.memory_space<hbm>>) dst(%arg5 : memref<16x128xi32, #tpu.memory_space<vmem>>)
        tpu.yield
      }) : () -> ()
      %dma_start3A = arith.constant 0 : i32
      %dma_start3A_15 = arith.constant 0 : i32
      %dma_start3A_16 = arith.constant 0 : i32
      %dma_start3A_17 = tpu.memref_slice %arg6[%dma_start3A_15, %dma_start3A_16] : memref<2048x2xf32, #tpu.memory_space<vmem>> -> memref<128x2xf32, #tpu.memory_space<vmem>>
      %dma_start3A_18 = arith.constant 0 : i32
      %dma_start3A_19 = tpu.memref_slice %arg5[%dma_start3A, %dma_start3A_18] : memref<16x128xi32, #tpu.memory_space<vmem>> -> memref<1x128xi32, #tpu.memory_space<vmem>>
      %dma_start3A_20 = tpu.memref_squeeze %dma_start3A_19 : memref<1x128xi32, #tpu.memory_space<vmem>> -> memref<128xi32, #tpu.memory_space<vmem>>
      %dma_start3A_21 = arith.constant 0 : i32
      %dma_start3A_22 = arith.constant 0 : i32
      %dma_start3A_23 = tpu.memref_slice %arg2[%dma_start3A_21, %dma_start3A_22] : memref<8388608x2xf32, #tpu.memory_space<hbm>> -> memref<8388608x2xf32, #tpu.memory_space<hbm>>
      tpu.enqueue_indirect_dma source(%dma_start3A_23 : memref<8388608x2xf32, #tpu.memory_space<hbm>>) target(%dma_start3A_17 : memref<128x2xf32, #tpu.memory_space<vmem>>) offsets(%dma_start3A_20 : memref<128xi32, #tpu.memory_space<vmem>>) semaphore(%arg7 : memref<!tpu.dma_semaphore, #tpu.memory_space<semaphore_mem>>)
      %dma_start3A_24 = arith.constant 1 : i32
      %dma_start3A_25 = arith.constant 128 : i32
      %dma_start3A_26 = arith.constant 0 : i32
      %dma_start3A_27 = tpu.memref_slice %arg6[%dma_start3A_25, %dma_start3A_26] : memref<2048x2xf32, #tpu.memory_space<vmem>> -> memref<128x2xf32, #tpu.memory_space<vmem>>
      %dma_start3A_28 = arith.constant 0 : i32
      %dma_start3A_29 = tpu.memref_slice %arg5[%dma_start3A_24, %dma_start3A_28] : memref<16x128xi32, #tpu.memory_space<vmem>> -> memref<1x128xi32, #tpu.memory_space<vmem>>
      %dma_start3A_30 = tpu.memref_squeeze %dma_start3A_29 : memref<1x128xi32, #tpu.memory_space<vmem>> -> memref<128xi32, #tpu.memory_space<vmem>>
      %dma_start3A_31 = arith.constant 0 : i32
      %dma_start3A_32 = arith.constant 0 : i32
      %dma_start3A_33 = tpu.memref_slice %arg2[%dma_start3A_31, %dma_start3A_32] : memref<8388608x2xf32, #tpu.memory_space<hbm>> -> memref<8388608x2xf32, #tpu.memory_space<hbm>>
      tpu.enqueue_indirect_dma source(%dma_start3A_33 : memref<8388608x2xf32, #tpu.memory_space<hbm>>) target(%dma_start3A_27 : memref<128x2xf32, #tpu.memory_space<vmem>>) offsets(%dma_start3A_30 : memref<128xi32, #tpu.memory_space<vmem>>) semaphore(%arg7 : memref<!tpu.dma_semaphore, #tpu.memory_space<semaphore_mem>>)
      %dma_start3A_34 = arith.constant 2 : i32
      %dma_start3A_35 = arith.constant 256 : i32
      %dma_start3A_36 = arith.constant 0 : i32
      %dma_start3A_37 = tpu.memref_slice %arg6[%dma_start3A_35, %dma_start3A_36] : memref<2048x2xf32, #tpu.memory_space<vmem>> -> memref<128x2xf32, #tpu.memory_space<vmem>>
      %dma_start3A_38 = arith.constant 0 : i32
      %dma_start3A_39 = tpu.memref_slice %arg5[%dma_start3A_34, %dma_start3A_38] : memref<16x128xi32, #tpu.memory_space<vmem>> -> memref<1x128xi32, #tpu.memory_space<vmem>>
      %dma_start3A_40 = tpu.memref_squeeze %dma_start3A_39 : memref<1x128xi32, #tpu.memory_space<vmem>> -> memref<128xi32, #tpu.memory_space<vmem>>
      %dma_start3A_41 = arith.constant 0 : i32
      %dma_start3A_42 = arith.constant 0 : i32
      %dma_start3A_43 = tpu.memref_slice %arg2[%dma_start3A_41, %dma_start3A_42] : memref<8388608x2xf32, #tpu.memory_space<hbm>> -> memref<8388608x2xf32, #tpu.memory_space<hbm>>
      tpu.enqueue_indirect_dma source(%dma_start3A_43 : memref<8388608x2xf32, #tpu.memory_space<hbm>>) target(%dma_start3A_37 : memref<128x2xf32, #tpu.memory_space<vmem>>) offsets(%dma_start3A_40 : memref<128xi32, #tpu.memory_space<vmem>>) semaphore(%arg7 : memref<!tpu.dma_semaphore, #tpu.memory_space<semaphore_mem>>)
      %dma_start3A_44 = arith.constant 3 : i32
      %dma_start3A_45 = arith.constant 384 : i32
      %dma_start3A_46 = arith.constant 0 : i32
      %dma_start3A_47 = tpu.memref_slice %arg6[%dma_start3A_45, %dma_start3A_46] : memref<2048x2xf32, #tpu.memory_space<vmem>> -> memref<128x2xf32, #tpu.memory_space<vmem>>
      %dma_start3A_48 = arith.constant 0 : i32
      %dma_start3A_49 = tpu.memref_slice %arg5[%dma_start3A_44, %dma_start3A_48] : memref<16x128xi32, #tpu.memory_space<vmem>> -> memref<1x128xi32, #tpu.memory_space<vmem>>
      %dma_start3A_50 = tpu.memref_squeeze %dma_start3A_49 : memref<1x128xi32, #tpu.memory_space<vmem>> -> memref<128xi32, #tpu.memory_space<vmem>>
      %dma_start3A_51 = arith.constant 0 : i32
      %dma_start3A_52 = arith.constant 0 : i32
      %dma_start3A_53 = tpu.memref_slice %arg2[%dma_start3A_51, %dma_start3A_52] : memref<8388608x2xf32, #tpu.memory_space<hbm>> -> memref<8388608x2xf32, #tpu.memory_space<hbm>>
      tpu.enqueue_indirect_dma source(%dma_start3A_53 : memref<8388608x2xf32, #tpu.memory_space<hbm>>) target(%dma_start3A_47 : memref<128x2xf32, #tpu.memory_space<vmem>>) offsets(%dma_start3A_50 : memref<128xi32, #tpu.memory_space<vmem>>) semaphore(%arg7 : memref<!tpu.dma_semaphore, #tpu.memory_space<semaphore_mem>>)
      %dma_start3A_54 = arith.constant 4 : i32
      %dma_start3A_55 = arith.constant 512 : i32
      %dma_start3A_56 = arith.constant 0 : i32
      %dma_start3A_57 = tpu.memref_slice %arg6[%dma_start3A_55, %dma_start3A_56] : memref<2048x2xf32, #tpu.memory_space<vmem>> -> memref<128x2xf32, #tpu.memory_space<vmem>>
      %dma_start3A_58 = arith.constant 0 : i32
      %dma_start3A_59 = tpu.memref_slice %arg5[%dma_start3A_54, %dma_start3A_58] : memref<16x128xi32, #tpu.memory_space<vmem>> -> memref<1x128xi32, #tpu.memory_space<vmem>>
      %dma_start3A_60 = tpu.memref_squeeze %dma_start3A_59 : memref<1x128xi32, #tpu.memory_space<vmem>> -> memref<128xi32, #tpu.memory_space<vmem>>
      %dma_start3A_61 = arith.constant 0 : i32
      %dma_start3A_62 = arith.constant 0 : i32
      %dma_start3A_63 = tpu.memref_slice %arg2[%dma_start3A_61, %dma_start3A_62] : memref<8388608x2xf32, #tpu.memory_space<hbm>> -> memref<8388608x2xf32, #tpu.memory_space<hbm>>
      tpu.enqueue_indirect_dma source(%dma_start3A_63 : memref<8388608x2xf32, #tpu.memory_space<hbm>>) target(%dma_start3A_57 : memref<128x2xf32, #tpu.memory_space<vmem>>) offsets(%dma_start3A_60 : memref<128xi32, #tpu.memory_space<vmem>>) semaphore(%arg7 : memref<!tpu.dma_semaphore, #tpu.memory_space<semaphore_mem>>)
      %dma_start3A_64 = arith.constant 5 : i32
      %dma_start3A_65 = arith.constant 640 : i32
      %dma_start3A_66 = arith.constant 0 : i32
      %dma_start3A_67 = tpu.memref_slice %arg6[%dma_start3A_65, %dma_start3A_66] : memref<2048x2xf32, #tpu.memory_space<vmem>> -> memref<128x2xf32, #tpu.memory_space<vmem>>
      %dma_start3A_68 = arith.constant 0 : i32
      %dma_start3A_69 = tpu.memref_slice %arg5[%dma_start3A_64, %dma_start3A_68] : memref<16x128xi32, #tpu.memory_space<vmem>> -> memref<1x128xi32, #tpu.memory_space<vmem>>
      %dma_start3A_70 = tpu.memref_squeeze %dma_start3A_69 : memref<1x128xi32, #tpu.memory_space<vmem>> -> memref<128xi32, #tpu.memory_space<vmem>>
      %dma_start3A_71 = arith.constant 0 : i32
      %dma_start3A_72 = arith.constant 0 : i32
      %dma_start3A_73 = tpu.memref_slice %arg2[%dma_start3A_71, %dma_start3A_72] : memref<8388608x2xf32, #tpu.memory_space<hbm>> -> memref<8388608x2xf32, #tpu.memory_space<hbm>>
      tpu.enqueue_indirect_dma source(%dma_start3A_73 : memref<8388608x2xf32, #tpu.memory_space<hbm>>) target(%dma_start3A_67 : memref<128x2xf32, #tpu.memory_space<vmem>>) offsets(%dma_start3A_70 : memref<128xi32, #tpu.memory_space<vmem>>) semaphore(%arg7 : memref<!tpu.dma_semaphore, #tpu.memory_space<semaphore_mem>>)
      %dma_start3A_74 = arith.constant 6 : i32
      %dma_start3A_75 = arith.constant 768 : i32
      %dma_start3A_76 = arith.constant 0 : i32
      %dma_start3A_77 = tpu.memref_slice %arg6[%dma_start3A_75, %dma_start3A_76] : memref<2048x2xf32, #tpu.memory_space<vmem>> -> memref<128x2xf32, #tpu.memory_space<vmem>>
      %dma_start3A_78 = arith.constant 0 : i32
      %dma_start3A_79 = tpu.memref_slice %arg5[%dma_start3A_74, %dma_start3A_78] : memref<16x128xi32, #tpu.memory_space<vmem>> -> memref<1x128xi32, #tpu.memory_space<vmem>>
      %dma_start3A_80 = tpu.memref_squeeze %dma_start3A_79 : memref<1x128xi32, #tpu.memory_space<vmem>> -> memref<128xi32, #tpu.memory_space<vmem>>
      %dma_start3A_81 = arith.constant 0 : i32
      %dma_start3A_82 = arith.constant 0 : i32
      %dma_start3A_83 = tpu.memref_slice %arg2[%dma_start3A_81, %dma_start3A_82] : memref<8388608x2xf32, #tpu.memory_space<hbm>> -> memref<8388608x2xf32, #tpu.memory_space<hbm>>
      tpu.enqueue_indirect_dma source(%dma_start3A_83 : memref<8388608x2xf32, #tpu.memory_space<hbm>>) target(%dma_start3A_77 : memref<128x2xf32, #tpu.memory_space<vmem>>) offsets(%dma_start3A_80 : memref<128xi32, #tpu.memory_space<vmem>>) semaphore(%arg7 : memref<!tpu.dma_semaphore, #tpu.memory_space<semaphore_mem>>)
      %dma_start3A_84 = arith.constant 7 : i32
      %dma_start3A_85 = arith.constant 896 : i32
      %dma_start3A_86 = arith.constant 0 : i32
      %dma_start3A_87 = tpu.memref_slice %arg6[%dma_start3A_85, %dma_start3A_86] : memref<2048x2xf32, #tpu.memory_space<vmem>> -> memref<128x2xf32, #tpu.memory_space<vmem>>
      %dma_start3A_88 = arith.constant 0 : i32
      %dma_start3A_89 = tpu.memref_slice %arg5[%dma_start3A_84, %dma_start3A_88] : memref<16x128xi32, #tpu.memory_space<vmem>> -> memref<1x128xi32, #tpu.memory_space<vmem>>
      %dma_start3A_90 = tpu.memref_squeeze %dma_start3A_89 : memref<1x128xi32, #tpu.memory_space<vmem>> -> memref<128xi32, #tpu.memory_space<vmem>>
      %dma_start3A_91 = arith.constant 0 : i32
      %dma_start3A_92 = arith.constant 0 : i32
      %dma_start3A_93 = tpu.memref_slice %arg2[%dma_start3A_91, %dma_start3A_92] : memref<8388608x2xf32, #tpu.memory_space<hbm>> -> memref<8388608x2xf32, #tpu.memory_space<hbm>>
      tpu.enqueue_indirect_dma source(%dma_start3A_93 : memref<8388608x2xf32, #tpu.memory_space<hbm>>) target(%dma_start3A_87 : memref<128x2xf32, #tpu.memory_space<vmem>>) offsets(%dma_start3A_90 : memref<128xi32, #tpu.memory_space<vmem>>) semaphore(%arg7 : memref<!tpu.dma_semaphore, #tpu.memory_space<semaphore_mem>>)
      %dma_start3A_94 = arith.constant 8 : i32
      %dma_start3A_95 = arith.constant 1024 : i32
      %dma_start3A_96 = arith.constant 0 : i32
      %dma_start3A_97 = tpu.memref_slice %arg6[%dma_start3A_95, %dma_start3A_96] : memref<2048x2xf32, #tpu.memory_space<vmem>> -> memref<128x2xf32, #tpu.memory_space<vmem>>
      %dma_start3A_98 = arith.constant 0 : i32
      %dma_start3A_99 = tpu.memref_slice %arg5[%dma_start3A_94, %dma_start3A_98] : memref<16x128xi32, #tpu.memory_space<vmem>> -> memref<1x128xi32, #tpu.memory_space<vmem>>
      %dma_start3A_100 = tpu.memref_squeeze %dma_start3A_99 : memref<1x128xi32, #tpu.memory_space<vmem>> -> memref<128xi32, #tpu.memory_space<vmem>>
      %dma_start3A_101 = arith.constant 0 : i32
      %dma_start3A_102 = arith.constant 0 : i32
      %dma_start3A_103 = tpu.memref_slice %arg2[%dma_start3A_101, %dma_start3A_102] : memref<8388608x2xf32, #tpu.memory_space<hbm>> -> memref<8388608x2xf32, #tpu.memory_space<hbm>>
      tpu.enqueue_indirect_dma source(%dma_start3A_103 : memref<8388608x2xf32, #tpu.memory_space<hbm>>) target(%dma_start3A_97 : memref<128x2xf32, #tpu.memory_space<vmem>>) offsets(%dma_start3A_100 : memref<128xi32, #tpu.memory_space<vmem>>) semaphore(%arg7 : memref<!tpu.dma_semaphore, #tpu.memory_space<semaphore_mem>>)
      %dma_start3A_104 = arith.constant 9 : i32
      %dma_start3A_105 = arith.constant 1152 : i32
      %dma_start3A_106 = arith.constant 0 : i32
      %dma_start3A_107 = tpu.memref_slice %arg6[%dma_start3A_105, %dma_start3A_106] : memref<2048x2xf32, #tpu.memory_space<vmem>> -> memref<128x2xf32, #tpu.memory_space<vmem>>
      %dma_start3A_108 = arith.constant 0 : i32
      %dma_start3A_109 = tpu.memref_slice %arg5[%dma_start3A_104, %dma_start3A_108] : memref<16x128xi32, #tpu.memory_space<vmem>> -> memref<1x128xi32, #tpu.memory_space<vmem>>
      %dma_start3A_110 = tpu.memref_squeeze %dma_start3A_109 : memref<1x128xi32, #tpu.memory_space<vmem>> -> memref<128xi32, #tpu.memory_space<vmem>>
      %dma_start3A_111 = arith.constant 0 : i32
      %dma_start3A_112 = arith.constant 0 : i32
      %dma_start3A_113 = tpu.memref_slice %arg2[%dma_start3A_111, %dma_start3A_112] : memref<8388608x2xf32, #tpu.memory_space<hbm>> -> memref<8388608x2xf32, #tpu.memory_space<hbm>>
      tpu.enqueue_indirect_dma source(%dma_start3A_113 : memref<8388608x2xf32, #tpu.memory_space<hbm>>) target(%dma_start3A_107 : memref<128x2xf32, #tpu.memory_space<vmem>>) offsets(%dma_start3A_110 : memref<128xi32, #tpu.memory_space<vmem>>) semaphore(%arg7 : memref<!tpu.dma_semaphore, #tpu.memory_space<semaphore_mem>>)
      %dma_start3A_114 = arith.constant 10 : i32
      %dma_start3A_115 = arith.constant 1280 : i32
      %dma_start3A_116 = arith.constant 0 : i32
      %dma_start3A_117 = tpu.memref_slice %arg6[%dma_start3A_115, %dma_start3A_116] : memref<2048x2xf32, #tpu.memory_space<vmem>> -> memref<128x2xf32, #tpu.memory_space<vmem>>
      %dma_start3A_118 = arith.constant 0 : i32
      %dma_start3A_119 = tpu.memref_slice %arg5[%dma_start3A_114, %dma_start3A_118] : memref<16x128xi32, #tpu.memory_space<vmem>> -> memref<1x128xi32, #tpu.memory_space<vmem>>
      %dma_start3A_120 = tpu.memref_squeeze %dma_start3A_119 : memref<1x128xi32, #tpu.memory_space<vmem>> -> memref<128xi32, #tpu.memory_space<vmem>>
      %dma_start3A_121 = arith.constant 0 : i32
      %dma_start3A_122 = arith.constant 0 : i32
      %dma_start3A_123 = tpu.memref_slice %arg2[%dma_start3A_121, %dma_start3A_122] : memref<8388608x2xf32, #tpu.memory_space<hbm>> -> memref<8388608x2xf32, #tpu.memory_space<hbm>>
      tpu.enqueue_indirect_dma source(%dma_start3A_123 : memref<8388608x2xf32, #tpu.memory_space<hbm>>) target(%dma_start3A_117 : memref<128x2xf32, #tpu.memory_space<vmem>>) offsets(%dma_start3A_120 : memref<128xi32, #tpu.memory_space<vmem>>) semaphore(%arg7 : memref<!tpu.dma_semaphore, #tpu.memory_space<semaphore_mem>>)
      %dma_start3A_124 = arith.constant 11 : i32
      %dma_start3A_125 = arith.constant 1408 : i32
      %dma_start3A_126 = arith.constant 0 : i32
      %dma_start3A_127 = tpu.memref_slice %arg6[%dma_start3A_125, %dma_start3A_126] : memref<2048x2xf32, #tpu.memory_space<vmem>> -> memref<128x2xf32, #tpu.memory_space<vmem>>
      %dma_start3A_128 = arith.constant 0 : i32
      %dma_start3A_129 = tpu.memref_slice %arg5[%dma_start3A_124, %dma_start3A_128] : memref<16x128xi32, #tpu.memory_space<vmem>> -> memref<1x128xi32, #tpu.memory_space<vmem>>
      %dma_start3A_130 = tpu.memref_squeeze %dma_start3A_129 : memref<1x128xi32, #tpu.memory_space<vmem>> -> memref<128xi32, #tpu.memory_space<vmem>>
      %dma_start3A_131 = arith.constant 0 : i32
      %dma_start3A_132 = arith.constant 0 : i32
      %dma_start3A_133 = tpu.memref_slice %arg2[%dma_start3A_131, %dma_start3A_132] : memref<8388608x2xf32, #tpu.memory_space<hbm>> -> memref<8388608x2xf32, #tpu.memory_space<hbm>>
      tpu.enqueue_indirect_dma source(%dma_start3A_133 : memref<8388608x2xf32, #tpu.memory_space<hbm>>) target(%dma_start3A_127 : memref<128x2xf32, #tpu.memory_space<vmem>>) offsets(%dma_start3A_130 : memref<128xi32, #tpu.memory_space<vmem>>) semaphore(%arg7 : memref<!tpu.dma_semaphore, #tpu.memory_space<semaphore_mem>>)
      %dma_start3A_134 = arith.constant 12 : i32
      %dma_start3A_135 = arith.constant 1536 : i32
      %dma_start3A_136 = arith.constant 0 : i32
      %dma_start3A_137 = tpu.memref_slice %arg6[%dma_start3A_135, %dma_start3A_136] : memref<2048x2xf32, #tpu.memory_space<vmem>> -> memref<128x2xf32, #tpu.memory_space<vmem>>
      %dma_start3A_138 = arith.constant 0 : i32
      %dma_start3A_139 = tpu.memref_slice %arg5[%dma_start3A_134, %dma_start3A_138] : memref<16x128xi32, #tpu.memory_space<vmem>> -> memref<1x128xi32, #tpu.memory_space<vmem>>
      %dma_start3A_140 = tpu.memref_squeeze %dma_start3A_139 : memref<1x128xi32, #tpu.memory_space<vmem>> -> memref<128xi32, #tpu.memory_space<vmem>>
      %dma_start3A_141 = arith.constant 0 : i32
      %dma_start3A_142 = arith.constant 0 : i32
      %dma_start3A_143 = tpu.memref_slice %arg2[%dma_start3A_141, %dma_start3A_142] : memref<8388608x2xf32, #tpu.memory_space<hbm>> -> memref<8388608x2xf32, #tpu.memory_space<hbm>>
      tpu.enqueue_indirect_dma source(%dma_start3A_143 : memref<8388608x2xf32, #tpu.memory_space<hbm>>) target(%dma_start3A_137 : memref<128x2xf32, #tpu.memory_space<vmem>>) offsets(%dma_start3A_140 : memref<128xi32, #tpu.memory_space<vmem>>) semaphore(%arg7 : memref<!tpu.dma_semaphore, #tpu.memory_space<semaphore_mem>>)
      %dma_start3A_144 = arith.constant 13 : i32
      %dma_start3A_145 = arith.constant 1664 : i32
      %dma_start3A_146 = arith.constant 0 : i32
      %dma_start3A_147 = tpu.memref_slice %arg6[%dma_start3A_145, %dma_start3A_146] : memref<2048x2xf32, #tpu.memory_space<vmem>> -> memref<128x2xf32, #tpu.memory_space<vmem>>
      %dma_start3A_148 = arith.constant 0 : i32
      %dma_start3A_149 = tpu.memref_slice %arg5[%dma_start3A_144, %dma_start3A_148] : memref<16x128xi32, #tpu.memory_space<vmem>> -> memref<1x128xi32, #tpu.memory_space<vmem>>
      %dma_start3A_150 = tpu.memref_squeeze %dma_start3A_149 : memref<1x128xi32, #tpu.memory_space<vmem>> -> memref<128xi32, #tpu.memory_space<vmem>>
      %dma_start3A_151 = arith.constant 0 : i32
      %dma_start3A_152 = arith.constant 0 : i32
      %dma_start3A_153 = tpu.memref_slice %arg2[%dma_start3A_151, %dma_start3A_152] : memref<8388608x2xf32, #tpu.memory_space<hbm>> -> memref<8388608x2xf32, #tpu.memory_space<hbm>>
      tpu.enqueue_indirect_dma source(%dma_start3A_153 : memref<8388608x2xf32, #tpu.memory_space<hbm>>) target(%dma_start3A_147 : memref<128x2xf32, #tpu.memory_space<vmem>>) offsets(%dma_start3A_150 : memref<128xi32, #tpu.memory_space<vmem>>) semaphore(%arg7 : memref<!tpu.dma_semaphore, #tpu.memory_space<semaphore_mem>>)
      %dma_start3A_154 = arith.constant 14 : i32
      %dma_start3A_155 = arith.constant 1792 : i32
      %dma_start3A_156 = arith.constant 0 : i32
      %dma_start3A_157 = tpu.memref_slice %arg6[%dma_start3A_155, %dma_start3A_156] : memref<2048x2xf32, #tpu.memory_space<vmem>> -> memref<128x2xf32, #tpu.memory_space<vmem>>
      %dma_start3A_158 = arith.constant 0 : i32
      %dma_start3A_159 = tpu.memref_slice %arg5[%dma_start3A_154, %dma_start3A_158] : memref<16x128xi32, #tpu.memory_space<vmem>> -> memref<1x128xi32, #tpu.memory_space<vmem>>
      %dma_start3A_160 = tpu.memref_squeeze %dma_start3A_159 : memref<1x128xi32, #tpu.memory_space<vmem>> -> memref<128xi32, #tpu.memory_space<vmem>>
      %dma_start3A_161 = arith.constant 0 : i32
      %dma_start3A_162 = arith.constant 0 : i32
      %dma_start3A_163 = tpu.memref_slice %arg2[%dma_start3A_161, %dma_start3A_162] : memref<8388608x2xf32, #tpu.memory_space<hbm>> -> memref<8388608x2xf32, #tpu.memory_space<hbm>>
      tpu.enqueue_indirect_dma source(%dma_start3A_163 : memref<8388608x2xf32, #tpu.memory_space<hbm>>) target(%dma_start3A_157 : memref<128x2xf32, #tpu.memory_space<vmem>>) offsets(%dma_start3A_160 : memref<128xi32, #tpu.memory_space<vmem>>) semaphore(%arg7 : memref<!tpu.dma_semaphore, #tpu.memory_space<semaphore_mem>>)
      %dma_start3A_164 = arith.constant 15 : i32
      %dma_start3A_165 = arith.constant 1920 : i32
      %dma_start3A_166 = arith.constant 0 : i32
      %dma_start3A_167 = tpu.memref_slice %arg6[%dma_start3A_165, %dma_start3A_166] : memref<2048x2xf32, #tpu.memory_space<vmem>> -> memref<128x2xf32, #tpu.memory_space<vmem>>
      %dma_start3A_168 = arith.constant 0 : i32
      %dma_start3A_169 = tpu.memref_slice %arg5[%dma_start3A_164, %dma_start3A_168] : memref<16x128xi32, #tpu.memory_space<vmem>> -> memref<1x128xi32, #tpu.memory_space<vmem>>
      %dma_start3A_170 = tpu.memref_squeeze %dma_start3A_169 : memref<1x128xi32, #tpu.memory_space<vmem>> -> memref<128xi32, #tpu.memory_space<vmem>>
      %dma_start3A_171 = arith.constant 0 : i32
      %dma_start3A_172 = arith.constant 0 : i32
      %dma_start3A_173 = tpu.memref_slice %arg2[%dma_start3A_171, %dma_start3A_172] : memref<8388608x2xf32, #tpu.memory_space<hbm>> -> memref<8388608x2xf32, #tpu.memory_space<hbm>>
      tpu.enqueue_indirect_dma source(%dma_start3A_173 : memref<8388608x2xf32, #tpu.memory_space<hbm>>) target(%dma_start3A_167 : memref<128x2xf32, #tpu.memory_space<vmem>>) offsets(%dma_start3A_170 : memref<128xi32, #tpu.memory_space<vmem>>) semaphore(%arg7 : memref<!tpu.dma_semaphore, #tpu.memory_space<semaphore_mem>>)
      %dma_wait3A = arith.constant 0 : i32
      %dma_wait3A_174 = arith.constant 0 : i32
      %dma_wait3A_175 = arith.constant 0 : i32
      %dma_wait3A_176 = tpu.memref_slice %arg6[%dma_wait3A_174, %dma_wait3A_175] : memref<2048x2xf32, #tpu.memory_space<vmem>> -> memref<128x2xf32, #tpu.memory_space<vmem>>
      %dma_wait3A_177 = arith.constant 0 : i32
      %dma_wait3A_178 = tpu.memref_slice %arg5[%dma_wait3A, %dma_wait3A_177] : memref<16x128xi32, #tpu.memory_space<vmem>> -> memref<1x128xi32, #tpu.memory_space<vmem>>
      %dma_wait3A_179 = tpu.memref_squeeze %dma_wait3A_178 : memref<1x128xi32, #tpu.memory_space<vmem>> -> memref<128xi32, #tpu.memory_space<vmem>>
      %dma_wait3A_180 = arith.constant 0 : i32
      %dma_wait3A_181 = arith.constant 0 : i32
      %dma_wait3A_182 = tpu.memref_slice %arg2[%dma_wait3A_180, %dma_wait3A_181] : memref<8388608x2xf32, #tpu.memory_space<hbm>> -> memref<8388608x2xf32, #tpu.memory_space<hbm>>
      tpu.wait_indirect_dma semaphore(%arg7 : memref<!tpu.dma_semaphore, #tpu.memory_space<semaphore_mem>>) src(%dma_wait3A_182 : memref<8388608x2xf32, #tpu.memory_space<hbm>>) dst(%dma_wait3A_176 : memref<128x2xf32, #tpu.memory_space<vmem>>)
      %dma_wait3A_183 = arith.constant 1 : i32
      %dma_wait3A_184 = arith.constant 128 : i32
      %dma_wait3A_185 = arith.constant 0 : i32
      %dma_wait3A_186 = tpu.memref_slice %arg6[%dma_wait3A_184, %dma_wait3A_185] : memref<2048x2xf32, #tpu.memory_space<vmem>> -> memref<128x2xf32, #tpu.memory_space<vmem>>
      %dma_wait3A_187 = arith.constant 0 : i32
      %dma_wait3A_188 = tpu.memref_slice %arg5[%dma_wait3A_183, %dma_wait3A_187] : memref<16x128xi32, #tpu.memory_space<vmem>> -> memref<1x128xi32, #tpu.memory_space<vmem>>
      %dma_wait3A_189 = tpu.memref_squeeze %dma_wait3A_188 : memref<1x128xi32, #tpu.memory_space<vmem>> -> memref<128xi32, #tpu.memory_space<vmem>>
      %dma_wait3A_190 = arith.constant 0 : i32
      %dma_wait3A_191 = arith.constant 0 : i32
      %dma_wait3A_192 = tpu.memref_slice %arg2[%dma_wait3A_190, %dma_wait3A_191] : memref<8388608x2xf32, #tpu.memory_space<hbm>> -> memref<8388608x2xf32, #tpu.memory_space<hbm>>
      tpu.wait_indirect_dma semaphore(%arg7 : memref<!tpu.dma_semaphore, #tpu.memory_space<semaphore_mem>>) src(%dma_wait3A_192 : memref<8388608x2xf32, #tpu.memory_space<hbm>>) dst(%dma_wait3A_186 : memref<128x2xf32, #tpu.memory_space<vmem>>)
      %dma_wait3A_193 = arith.constant 2 : i32
      %dma_wait3A_194 = arith.constant 256 : i32
      %dma_wait3A_195 = arith.constant 0 : i32
      %dma_wait3A_196 = tpu.memref_slice %arg6[%dma_wait3A_194, %dma_wait3A_195] : memref<2048x2xf32, #tpu.memory_space<vmem>> -> memref<128x2xf32, #tpu.memory_space<vmem>>
      %dma_wait3A_197 = arith.constant 0 : i32
      %dma_wait3A_198 = tpu.memref_slice %arg5[%dma_wait3A_193, %dma_wait3A_197] : memref<16x128xi32, #tpu.memory_space<vmem>> -> memref<1x128xi32, #tpu.memory_space<vmem>>
      %dma_wait3A_199 = tpu.memref_squeeze %dma_wait3A_198 : memref<1x128xi32, #tpu.memory_space<vmem>> -> memref<128xi32, #tpu.memory_space<vmem>>
      %dma_wait3A_200 = arith.constant 0 : i32
      %dma_wait3A_201 = arith.constant 0 : i32
      %dma_wait3A_202 = tpu.memref_slice %arg2[%dma_wait3A_200, %dma_wait3A_201] : memref<8388608x2xf32, #tpu.memory_space<hbm>> -> memref<8388608x2xf32, #tpu.memory_space<hbm>>
      tpu.wait_indirect_dma semaphore(%arg7 : memref<!tpu.dma_semaphore, #tpu.memory_space<semaphore_mem>>) src(%dma_wait3A_202 : memref<8388608x2xf32, #tpu.memory_space<hbm>>) dst(%dma_wait3A_196 : memref<128x2xf32, #tpu.memory_space<vmem>>)
      %dma_wait3A_203 = arith.constant 3 : i32
      %dma_wait3A_204 = arith.constant 384 : i32
      %dma_wait3A_205 = arith.constant 0 : i32
      %dma_wait3A_206 = tpu.memref_slice %arg6[%dma_wait3A_204, %dma_wait3A_205] : memref<2048x2xf32, #tpu.memory_space<vmem>> -> memref<128x2xf32, #tpu.memory_space<vmem>>
      %dma_wait3A_207 = arith.constant 0 : i32
      %dma_wait3A_208 = tpu.memref_slice %arg5[%dma_wait3A_203, %dma_wait3A_207] : memref<16x128xi32, #tpu.memory_space<vmem>> -> memref<1x128xi32, #tpu.memory_space<vmem>>
      %dma_wait3A_209 = tpu.memref_squeeze %dma_wait3A_208 : memref<1x128xi32, #tpu.memory_space<vmem>> -> memref<128xi32, #tpu.memory_space<vmem>>
      %dma_wait3A_210 = arith.constant 0 : i32
      %dma_wait3A_211 = arith.constant 0 : i32
      %dma_wait3A_212 = tpu.memref_slice %arg2[%dma_wait3A_210, %dma_wait3A_211] : memref<8388608x2xf32, #tpu.memory_space<hbm>> -> memref<8388608x2xf32, #tpu.memory_space<hbm>>
      tpu.wait_indirect_dma semaphore(%arg7 : memref<!tpu.dma_semaphore, #tpu.memory_space<semaphore_mem>>) src(%dma_wait3A_212 : memref<8388608x2xf32, #tpu.memory_space<hbm>>) dst(%dma_wait3A_206 : memref<128x2xf32, #tpu.memory_space<vmem>>)
      %dma_wait3A_213 = arith.constant 4 : i32
      %dma_wait3A_214 = arith.constant 512 : i32
      %dma_wait3A_215 = arith.constant 0 : i32
      %dma_wait3A_216 = tpu.memref_slice %arg6[%dma_wait3A_214, %dma_wait3A_215] : memref<2048x2xf32, #tpu.memory_space<vmem>> -> memref<128x2xf32, #tpu.memory_space<vmem>>
      %dma_wait3A_217 = arith.constant 0 : i32
      %dma_wait3A_218 = tpu.memref_slice %arg5[%dma_wait3A_213, %dma_wait3A_217] : memref<16x128xi32, #tpu.memory_space<vmem>> -> memref<1x128xi32, #tpu.memory_space<vmem>>
      %dma_wait3A_219 = tpu.memref_squeeze %dma_wait3A_218 : memref<1x128xi32, #tpu.memory_space<vmem>> -> memref<128xi32, #tpu.memory_space<vmem>>
      %dma_wait3A_220 = arith.constant 0 : i32
      %dma_wait3A_221 = arith.constant 0 : i32
      %dma_wait3A_222 = tpu.memref_slice %arg2[%dma_wait3A_220, %dma_wait3A_221] : memref<8388608x2xf32, #tpu.memory_space<hbm>> -> memref<8388608x2xf32, #tpu.memory_space<hbm>>
      tpu.wait_indirect_dma semaphore(%arg7 : memref<!tpu.dma_semaphore, #tpu.memory_space<semaphore_mem>>) src(%dma_wait3A_222 : memref<8388608x2xf32, #tpu.memory_space<hbm>>) dst(%dma_wait3A_216 : memref<128x2xf32, #tpu.memory_space<vmem>>)
      %dma_wait3A_223 = arith.constant 5 : i32
      %dma_wait3A_224 = arith.constant 640 : i32
      %dma_wait3A_225 = arith.constant 0 : i32
      %dma_wait3A_226 = tpu.memref_slice %arg6[%dma_wait3A_224, %dma_wait3A_225] : memref<2048x2xf32, #tpu.memory_space<vmem>> -> memref<128x2xf32, #tpu.memory_space<vmem>>
      %dma_wait3A_227 = arith.constant 0 : i32
      %dma_wait3A_228 = tpu.memref_slice %arg5[%dma_wait3A_223, %dma_wait3A_227] : memref<16x128xi32, #tpu.memory_space<vmem>> -> memref<1x128xi32, #tpu.memory_space<vmem>>
      %dma_wait3A_229 = tpu.memref_squeeze %dma_wait3A_228 : memref<1x128xi32, #tpu.memory_space<vmem>> -> memref<128xi32, #tpu.memory_space<vmem>>
      %dma_wait3A_230 = arith.constant 0 : i32
      %dma_wait3A_231 = arith.constant 0 : i32
      %dma_wait3A_232 = tpu.memref_slice %arg2[%dma_wait3A_230, %dma_wait3A_231] : memref<8388608x2xf32, #tpu.memory_space<hbm>> -> memref<8388608x2xf32, #tpu.memory_space<hbm>>
      tpu.wait_indirect_dma semaphore(%arg7 : memref<!tpu.dma_semaphore, #tpu.memory_space<semaphore_mem>>) src(%dma_wait3A_232 : memref<8388608x2xf32, #tpu.memory_space<hbm>>) dst(%dma_wait3A_226 : memref<128x2xf32, #tpu.memory_space<vmem>>)
      %dma_wait3A_233 = arith.constant 6 : i32
      %dma_wait3A_234 = arith.constant 768 : i32
      %dma_wait3A_235 = arith.constant 0 : i32
      %dma_wait3A_236 = tpu.memref_slice %arg6[%dma_wait3A_234, %dma_wait3A_235] : memref<2048x2xf32, #tpu.memory_space<vmem>> -> memref<128x2xf32, #tpu.memory_space<vmem>>
      %dma_wait3A_237 = arith.constant 0 : i32
      %dma_wait3A_238 = tpu.memref_slice %arg5[%dma_wait3A_233, %dma_wait3A_237] : memref<16x128xi32, #tpu.memory_space<vmem>> -> memref<1x128xi32, #tpu.memory_space<vmem>>
      %dma_wait3A_239 = tpu.memref_squeeze %dma_wait3A_238 : memref<1x128xi32, #tpu.memory_space<vmem>> -> memref<128xi32, #tpu.memory_space<vmem>>
      %dma_wait3A_240 = arith.constant 0 : i32
      %dma_wait3A_241 = arith.constant 0 : i32
      %dma_wait3A_242 = tpu.memref_slice %arg2[%dma_wait3A_240, %dma_wait3A_241] : memref<8388608x2xf32, #tpu.memory_space<hbm>> -> memref<8388608x2xf32, #tpu.memory_space<hbm>>
      tpu.wait_indirect_dma semaphore(%arg7 : memref<!tpu.dma_semaphore, #tpu.memory_space<semaphore_mem>>) src(%dma_wait3A_242 : memref<8388608x2xf32, #tpu.memory_space<hbm>>) dst(%dma_wait3A_236 : memref<128x2xf32, #tpu.memory_space<vmem>>)
      %dma_wait3A_243 = arith.constant 7 : i32
      %dma_wait3A_244 = arith.constant 896 : i32
      %dma_wait3A_245 = arith.constant 0 : i32
      %dma_wait3A_246 = tpu.memref_slice %arg6[%dma_wait3A_244, %dma_wait3A_245] : memref<2048x2xf32, #tpu.memory_space<vmem>> -> memref<128x2xf32, #tpu.memory_space<vmem>>
      %dma_wait3A_247 = arith.constant 0 : i32
      %dma_wait3A_248 = tpu.memref_slice %arg5[%dma_wait3A_243, %dma_wait3A_247] : memref<16x128xi32, #tpu.memory_space<vmem>> -> memref<1x128xi32, #tpu.memory_space<vmem>>
      %dma_wait3A_249 = tpu.memref_squeeze %dma_wait3A_248 : memref<1x128xi32, #tpu.memory_space<vmem>> -> memref<128xi32, #tpu.memory_space<vmem>>
      %dma_wait3A_250 = arith.constant 0 : i32
      %dma_wait3A_251 = arith.constant 0 : i32
      %dma_wait3A_252 = tpu.memref_slice %arg2[%dma_wait3A_250, %dma_wait3A_251] : memref<8388608x2xf32, #tpu.memory_space<hbm>> -> memref<8388608x2xf32, #tpu.memory_space<hbm>>
      tpu.wait_indirect_dma semaphore(%arg7 : memref<!tpu.dma_semaphore, #tpu.memory_space<semaphore_mem>>) src(%dma_wait3A_252 : memref<8388608x2xf32, #tpu.memory_space<hbm>>) dst(%dma_wait3A_246 : memref<128x2xf32, #tpu.memory_space<vmem>>)
      %dma_wait3A_253 = arith.constant 8 : i32
      %dma_wait3A_254 = arith.constant 1024 : i32
      %dma_wait3A_255 = arith.constant 0 : i32
      %dma_wait3A_256 = tpu.memref_slice %arg6[%dma_wait3A_254, %dma_wait3A_255] : memref<2048x2xf32, #tpu.memory_space<vmem>> -> memref<128x2xf32, #tpu.memory_space<vmem>>
      %dma_wait3A_257 = arith.constant 0 : i32
      %dma_wait3A_258 = tpu.memref_slice %arg5[%dma_wait3A_253, %dma_wait3A_257] : memref<16x128xi32, #tpu.memory_space<vmem>> -> memref<1x128xi32, #tpu.memory_space<vmem>>
      %dma_wait3A_259 = tpu.memref_squeeze %dma_wait3A_258 : memref<1x128xi32, #tpu.memory_space<vmem>> -> memref<128xi32, #tpu.memory_space<vmem>>
      %dma_wait3A_260 = arith.constant 0 : i32
      %dma_wait3A_261 = arith.constant 0 : i32
      %dma_wait3A_262 = tpu.memref_slice %arg2[%dma_wait3A_260, %dma_wait3A_261] : memref<8388608x2xf32, #tpu.memory_space<hbm>> -> memref<8388608x2xf32, #tpu.memory_space<hbm>>
      tpu.wait_indirect_dma semaphore(%arg7 : memref<!tpu.dma_semaphore, #tpu.memory_space<semaphore_mem>>) src(%dma_wait3A_262 : memref<8388608x2xf32, #tpu.memory_space<hbm>>) dst(%dma_wait3A_256 : memref<128x2xf32, #tpu.memory_space<vmem>>)
      %dma_wait3A_263 = arith.constant 9 : i32
      %dma_wait3A_264 = arith.constant 1152 : i32
      %dma_wait3A_265 = arith.constant 0 : i32
      %dma_wait3A_266 = tpu.memref_slice %arg6[%dma_wait3A_264, %dma_wait3A_265] : memref<2048x2xf32, #tpu.memory_space<vmem>> -> memref<128x2xf32, #tpu.memory_space<vmem>>
      %dma_wait3A_267 = arith.constant 0 : i32
      %dma_wait3A_268 = tpu.memref_slice %arg5[%dma_wait3A_263, %dma_wait3A_267] : memref<16x128xi32, #tpu.memory_space<vmem>> -> memref<1x128xi32, #tpu.memory_space<vmem>>
      %dma_wait3A_269 = tpu.memref_squeeze %dma_wait3A_268 : memref<1x128xi32, #tpu.memory_space<vmem>> -> memref<128xi32, #tpu.memory_space<vmem>>
      %dma_wait3A_270 = arith.constant 0 : i32
      %dma_wait3A_271 = arith.constant 0 : i32
      %dma_wait3A_272 = tpu.memref_slice %arg2[%dma_wait3A_270, %dma_wait3A_271] : memref<8388608x2xf32, #tpu.memory_space<hbm>> -> memref<8388608x2xf32, #tpu.memory_space<hbm>>
      tpu.wait_indirect_dma semaphore(%arg7 : memref<!tpu.dma_semaphore, #tpu.memory_space<semaphore_mem>>) src(%dma_wait3A_272 : memref<8388608x2xf32, #tpu.memory_space<hbm>>) dst(%dma_wait3A_266 : memref<128x2xf32, #tpu.memory_space<vmem>>)
      %dma_wait3A_273 = arith.constant 10 : i32
      %dma_wait3A_274 = arith.constant 1280 : i32
      %dma_wait3A_275 = arith.constant 0 : i32
      %dma_wait3A_276 = tpu.memref_slice %arg6[%dma_wait3A_274, %dma_wait3A_275] : memref<2048x2xf32, #tpu.memory_space<vmem>> -> memref<128x2xf32, #tpu.memory_space<vmem>>
      %dma_wait3A_277 = arith.constant 0 : i32
      %dma_wait3A_278 = tpu.memref_slice %arg5[%dma_wait3A_273, %dma_wait3A_277] : memref<16x128xi32, #tpu.memory_space<vmem>> -> memref<1x128xi32, #tpu.memory_space<vmem>>
      %dma_wait3A_279 = tpu.memref_squeeze %dma_wait3A_278 : memref<1x128xi32, #tpu.memory_space<vmem>> -> memref<128xi32, #tpu.memory_space<vmem>>
      %dma_wait3A_280 = arith.constant 0 : i32
      %dma_wait3A_281 = arith.constant 0 : i32
      %dma_wait3A_282 = tpu.memref_slice %arg2[%dma_wait3A_280, %dma_wait3A_281] : memref<8388608x2xf32, #tpu.memory_space<hbm>> -> memref<8388608x2xf32, #tpu.memory_space<hbm>>
      tpu.wait_indirect_dma semaphore(%arg7 : memref<!tpu.dma_semaphore, #tpu.memory_space<semaphore_mem>>) src(%dma_wait3A_282 : memref<8388608x2xf32, #tpu.memory_space<hbm>>) dst(%dma_wait3A_276 : memref<128x2xf32, #tpu.memory_space<vmem>>)
      %dma_wait3A_283 = arith.constant 11 : i32
      %dma_wait3A_284 = arith.constant 1408 : i32
      %dma_wait3A_285 = arith.constant 0 : i32
      %dma_wait3A_286 = tpu.memref_slice %arg6[%dma_wait3A_284, %dma_wait3A_285] : memref<2048x2xf32, #tpu.memory_space<vmem>> -> memref<128x2xf32, #tpu.memory_space<vmem>>
      %dma_wait3A_287 = arith.constant 0 : i32
      %dma_wait3A_288 = tpu.memref_slice %arg5[%dma_wait3A_283, %dma_wait3A_287] : memref<16x128xi32, #tpu.memory_space<vmem>> -> memref<1x128xi32, #tpu.memory_space<vmem>>
      %dma_wait3A_289 = tpu.memref_squeeze %dma_wait3A_288 : memref<1x128xi32, #tpu.memory_space<vmem>> -> memref<128xi32, #tpu.memory_space<vmem>>
      %dma_wait3A_290 = arith.constant 0 : i32
      %dma_wait3A_291 = arith.constant 0 : i32
      %dma_wait3A_292 = tpu.memref_slice %arg2[%dma_wait3A_290, %dma_wait3A_291] : memref<8388608x2xf32, #tpu.memory_space<hbm>> -> memref<8388608x2xf32, #tpu.memory_space<hbm>>
      tpu.wait_indirect_dma semaphore(%arg7 : memref<!tpu.dma_semaphore, #tpu.memory_space<semaphore_mem>>) src(%dma_wait3A_292 : memref<8388608x2xf32, #tpu.memory_space<hbm>>) dst(%dma_wait3A_286 : memref<128x2xf32, #tpu.memory_space<vmem>>)
      %dma_wait3A_293 = arith.constant 12 : i32
      %dma_wait3A_294 = arith.constant 1536 : i32
      %dma_wait3A_295 = arith.constant 0 : i32
      %dma_wait3A_296 = tpu.memref_slice %arg6[%dma_wait3A_294, %dma_wait3A_295] : memref<2048x2xf32, #tpu.memory_space<vmem>> -> memref<128x2xf32, #tpu.memory_space<vmem>>
      %dma_wait3A_297 = arith.constant 0 : i32
      %dma_wait3A_298 = tpu.memref_slice %arg5[%dma_wait3A_293, %dma_wait3A_297] : memref<16x128xi32, #tpu.memory_space<vmem>> -> memref<1x128xi32, #tpu.memory_space<vmem>>
      %dma_wait3A_299 = tpu.memref_squeeze %dma_wait3A_298 : memref<1x128xi32, #tpu.memory_space<vmem>> -> memref<128xi32, #tpu.memory_space<vmem>>
      %dma_wait3A_300 = arith.constant 0 : i32
      %dma_wait3A_301 = arith.constant 0 : i32
      %dma_wait3A_302 = tpu.memref_slice %arg2[%dma_wait3A_300, %dma_wait3A_301] : memref<8388608x2xf32, #tpu.memory_space<hbm>> -> memref<8388608x2xf32, #tpu.memory_space<hbm>>
      tpu.wait_indirect_dma semaphore(%arg7 : memref<!tpu.dma_semaphore, #tpu.memory_space<semaphore_mem>>) src(%dma_wait3A_302 : memref<8388608x2xf32, #tpu.memory_space<hbm>>) dst(%dma_wait3A_296 : memref<128x2xf32, #tpu.memory_space<vmem>>)
      %dma_wait3A_303 = arith.constant 13 : i32
      %dma_wait3A_304 = arith.constant 1664 : i32
      %dma_wait3A_305 = arith.constant 0 : i32
      %dma_wait3A_306 = tpu.memref_slice %arg6[%dma_wait3A_304, %dma_wait3A_305] : memref<2048x2xf32, #tpu.memory_space<vmem>> -> memref<128x2xf32, #tpu.memory_space<vmem>>
      %dma_wait3A_307 = arith.constant 0 : i32
      %dma_wait3A_308 = tpu.memref_slice %arg5[%dma_wait3A_303, %dma_wait3A_307] : memref<16x128xi32, #tpu.memory_space<vmem>> -> memref<1x128xi32, #tpu.memory_space<vmem>>
      %dma_wait3A_309 = tpu.memref_squeeze %dma_wait3A_308 : memref<1x128xi32, #tpu.memory_space<vmem>> -> memref<128xi32, #tpu.memory_space<vmem>>
      %dma_wait3A_310 = arith.constant 0 : i32
      %dma_wait3A_311 = arith.constant 0 : i32
      %dma_wait3A_312 = tpu.memref_slice %arg2[%dma_wait3A_310, %dma_wait3A_311] : memref<8388608x2xf32, #tpu.memory_space<hbm>> -> memref<8388608x2xf32, #tpu.memory_space<hbm>>
      tpu.wait_indirect_dma semaphore(%arg7 : memref<!tpu.dma_semaphore, #tpu.memory_space<semaphore_mem>>) src(%dma_wait3A_312 : memref<8388608x2xf32, #tpu.memory_space<hbm>>) dst(%dma_wait3A_306 : memref<128x2xf32, #tpu.memory_space<vmem>>)
      %dma_wait3A_313 = arith.constant 14 : i32
      %dma_wait3A_314 = arith.constant 1792 : i32
      %dma_wait3A_315 = arith.constant 0 : i32
      %dma_wait3A_316 = tpu.memref_slice %arg6[%dma_wait3A_314, %dma_wait3A_315] : memref<2048x2xf32, #tpu.memory_space<vmem>> -> memref<128x2xf32, #tpu.memory_space<vmem>>
      %dma_wait3A_317 = arith.constant 0 : i32
      %dma_wait3A_318 = tpu.memref_slice %arg5[%dma_wait3A_313, %dma_wait3A_317] : memref<16x128xi32, #tpu.memory_space<vmem>> -> memref<1x128xi32, #tpu.memory_space<vmem>>
      %dma_wait3A_319 = tpu.memref_squeeze %dma_wait3A_318 : memref<1x128xi32, #tpu.memory_space<vmem>> -> memref<128xi32, #tpu.memory_space<vmem>>
      %dma_wait3A_320 = arith.constant 0 : i32
      %dma_wait3A_321 = arith.constant 0 : i32
      %dma_wait3A_322 = tpu.memref_slice %arg2[%dma_wait3A_320, %dma_wait3A_321] : memref<8388608x2xf32, #tpu.memory_space<hbm>> -> memref<8388608x2xf32, #tpu.memory_space<hbm>>
      tpu.wait_indirect_dma semaphore(%arg7 : memref<!tpu.dma_semaphore, #tpu.memory_space<semaphore_mem>>) src(%dma_wait3A_322 : memref<8388608x2xf32, #tpu.memory_space<hbm>>) dst(%dma_wait3A_316 : memref<128x2xf32, #tpu.memory_space<vmem>>)
      %dma_wait3A_323 = arith.constant 15 : i32
      %dma_wait3A_324 = arith.constant 1920 : i32
      %dma_wait3A_325 = arith.constant 0 : i32
      %dma_wait3A_326 = tpu.memref_slice %arg6[%dma_wait3A_324, %dma_wait3A_325] : memref<2048x2xf32, #tpu.memory_space<vmem>> -> memref<128x2xf32, #tpu.memory_space<vmem>>
      %dma_wait3A_327 = arith.constant 0 : i32
      %dma_wait3A_328 = tpu.memref_slice %arg5[%dma_wait3A_323, %dma_wait3A_327] : memref<16x128xi32, #tpu.memory_space<vmem>> -> memref<1x128xi32, #tpu.memory_space<vmem>>
      %dma_wait3A_329 = tpu.memref_squeeze %dma_wait3A_328 : memref<1x128xi32, #tpu.memory_space<vmem>> -> memref<128xi32, #tpu.memory_space<vmem>>
      %dma_wait3A_330 = arith.constant 0 : i32
      %dma_wait3A_331 = arith.constant 0 : i32
      %dma_wait3A_332 = tpu.memref_slice %arg2[%dma_wait3A_330, %dma_wait3A_331] : memref<8388608x2xf32, #tpu.memory_space<hbm>> -> memref<8388608x2xf32, #tpu.memory_space<hbm>>
      tpu.wait_indirect_dma semaphore(%arg7 : memref<!tpu.dma_semaphore, #tpu.memory_space<semaphore_mem>>) src(%dma_wait3A_332 : memref<8388608x2xf32, #tpu.memory_space<hbm>>) dst(%dma_wait3A_326 : memref<128x2xf32, #tpu.memory_space<vmem>>)
      %mul3A_333 = arith.constant 128 : i32
      %mul3A_334 = arith.muli %add3A_14, %mul3A_333 : i32
      "tpu.region"() ({
        %run_scoped3A = tpu.sem_alloc : memref<!tpu.dma_semaphore, #tpu.memory_space<semaphore_mem>>
        %dma_start3A_335 = arith.constant 0 : i32
        %dma_start3A_336 = tpu.memref_slice %arg4[%mul3A_334, %dma_start3A_335] : memref<33554432x2xf32, #tpu.memory_space<hbm>> -> memref<2048x2xf32, #tpu.memory_space<hbm>>
        %dma_start3A_337 = arith.constant 0 : i32
        %dma_start3A_338 = tpu.memref_slice %arg4[%mul3A_334, %dma_start3A_337] : memref<33554432x2xf32, #tpu.memory_space<hbm>> -> memref<2048x2xf32, #tpu.memory_space<hbm>>
        tpu.enqueue_dma source(%arg6 : memref<2048x2xf32, #tpu.memory_space<vmem>>) target(%dma_start3A_338 : memref<2048x2xf32, #tpu.memory_space<hbm>>) target_semaphore(%run_scoped3A : memref<!tpu.dma_semaphore, #tpu.memory_space<semaphore_mem>>)
        %dma_wait3A_339 = arith.constant 0 : i32
        %dma_wait3A_340 = tpu.memref_slice %arg4[%mul3A_334, %dma_wait3A_339] : memref<33554432x2xf32, #tpu.memory_space<hbm>> -> memref<2048x2xf32, #tpu.memory_space<hbm>>
        %dma_wait3A_341 = arith.constant 0 : i32
        %dma_wait3A_342 = tpu.memref_slice %arg4[%mul3A_334, %dma_wait3A_341] : memref<33554432x2xf32, #tpu.memory_space<hbm>> -> memref<2048x2xf32, #tpu.memory_space<hbm>>
        tpu.wait_dma2 semaphore(%run_scoped3A : memref<!tpu.dma_semaphore, #tpu.memory_space<semaphore_mem>>) src(%arg6 : memref<2048x2xf32, #tpu.memory_space<vmem>>) dst(%dma_wait3A_342 : memref<2048x2xf32, #tpu.memory_space<hbm>>)
        tpu.yield
      }) : () -> ()
    }
    %scan3A_6 = arith.constant 512 : i32
    return
  }
}

module attributes {stable_mosaic.version = 14 : i64} {
  func.func @_idx_body(%arg0: i32, %arg1: memref<2048x3xf32, #tpu.memory_space<vmem>>, %arg2: memref<8x128xi32, #tpu.memory_space<vmem>>, %arg3: memref<8x128xf32, #tpu.memory_space<vmem>>, %arg4: memref<2048x128xi32, #tpu.memory_space<vmem>>) attributes {dimension_semantics = [#tpu.dimension_semantics<arbitrary>], iteration_bounds = array<i64: 128>, scalar_prefetch = 0 : i64, scratch_operands = 0 : i64, tpu.core_type = #tpu.core_type<tc>, window_params = [{transform_indices = @transform_0, window_bounds = array<i64: 2048, 3>}, {pipeline_mode = #tpu.pipeline_mode<synchronous>, transform_indices = @transform_1, window_bounds = array<i64: 8, 128>}, {pipeline_mode = #tpu.pipeline_mode<synchronous>, transform_indices = @transform_2, window_bounds = array<i64: 8, 128>}, {transform_indices = @transform_3, window_bounds = array<i64: 2048, 128>}]} {
    %get3A = arith.constant 0 : index
    %get3A_0 = arith.constant 0 : index
    %get3A_1 = vector.load %arg1[%get3A, %get3A_0] : memref<2048x3xf32, #tpu.memory_space<vmem>>, vector<2048x3xf32>
    %get3A_2 = arith.constant 0 : index
    %get3A_3 = arith.constant 0 : index
    %get3A_4 = vector.load %arg3[%get3A_2, %get3A_3] : memref<8x128xf32, #tpu.memory_space<vmem>>, vector<1x128xf32>
    %slice3A = vector.extract_strided_slice %get3A_1 {offsets = [0, 0], sizes = [2048, 1], strides = [1, 1]} : vector<2048x3xf32> to vector<2048x1xf32>
    %mul3A = vector.broadcast %slice3A : vector<2048x1xf32> to vector<2048x128xf32>
    %mul3A_5 = vector.broadcast %get3A_4 : vector<1x128xf32> to vector<2048x128xf32>
    %mul3A_6 = arith.mulf %mul3A, %mul3A_5 : vector<2048x128xf32>
    %floor3A = math.floor %mul3A_6 : vector<2048x128xf32>
    %convert_element_type3A = arith.fptosi %floor3A : vector<2048x128xf32> to vector<2048x128xi32>
    %get3A_7 = arith.constant 4 : index
    %get3A_8 = arith.constant 0 : index
    %get3A_9 = vector.load %arg2[%get3A_7, %get3A_8] : memref<8x128xi32, #tpu.memory_space<vmem>>, vector<1x128xi32>
    %add3A = vector.broadcast %get3A_9 : vector<1x128xi32> to vector<2048x128xi32>
    %add3A_10 = arith.addi %convert_element_type3A, %add3A : vector<2048x128xi32>
    %slice3A_11 = vector.extract_strided_slice %get3A_1 {offsets = [0, 1], sizes = [2048, 1], strides = [1, 1]} : vector<2048x3xf32> to vector<2048x1xf32>
    %mul3A_12 = vector.broadcast %slice3A_11 : vector<2048x1xf32> to vector<2048x128xf32>
    %mul3A_13 = vector.broadcast %get3A_4 : vector<1x128xf32> to vector<2048x128xf32>
    %mul3A_14 = arith.mulf %mul3A_12, %mul3A_13 : vector<2048x128xf32>
    %floor3A_15 = math.floor %mul3A_14 : vector<2048x128xf32>
    %convert_element_type3A_16 = arith.fptosi %floor3A_15 : vector<2048x128xf32> to vector<2048x128xi32>
    %get3A_17 = arith.constant 5 : index
    %get3A_18 = arith.constant 0 : index
    %get3A_19 = vector.load %arg2[%get3A_17, %get3A_18] : memref<8x128xi32, #tpu.memory_space<vmem>>, vector<1x128xi32>
    %add3A_20 = vector.broadcast %get3A_19 : vector<1x128xi32> to vector<2048x128xi32>
    %add3A_21 = arith.addi %convert_element_type3A_16, %add3A_20 : vector<2048x128xi32>
    %slice3A_22 = vector.extract_strided_slice %get3A_1 {offsets = [0, 2], sizes = [2048, 1], strides = [1, 1]} : vector<2048x3xf32> to vector<2048x1xf32>
    %mul3A_23 = vector.broadcast %slice3A_22 : vector<2048x1xf32> to vector<2048x128xf32>
    %mul3A_24 = vector.broadcast %get3A_4 : vector<1x128xf32> to vector<2048x128xf32>
    %mul3A_25 = arith.mulf %mul3A_23, %mul3A_24 : vector<2048x128xf32>
    %floor3A_26 = math.floor %mul3A_25 : vector<2048x128xf32>
    %convert_element_type3A_27 = arith.fptosi %floor3A_26 : vector<2048x128xf32> to vector<2048x128xi32>
    %get3A_28 = arith.constant 6 : index
    %get3A_29 = arith.constant 0 : index
    %get3A_30 = vector.load %arg2[%get3A_28, %get3A_29] : memref<8x128xi32, #tpu.memory_space<vmem>>, vector<1x128xi32>
    %add3A_31 = vector.broadcast %get3A_30 : vector<1x128xi32> to vector<2048x128xi32>
    %add3A_32 = arith.addi %convert_element_type3A_27, %add3A_31 : vector<2048x128xi32>
    %get3A_33 = arith.constant 0 : index
    %get3A_34 = arith.constant 0 : index
    %get3A_35 = vector.load %arg2[%get3A_33, %get3A_34] : memref<8x128xi32, #tpu.memory_space<vmem>>, vector<1x128xi32>
    %mul3A_36 = vector.broadcast %get3A_35 : vector<1x128xi32> to vector<2048x128xi32>
    %mul3A_37 = arith.muli %add3A_21, %mul3A_36 : vector<2048x128xi32>
    %get3A_38 = arith.constant 1 : index
    %get3A_39 = arith.constant 0 : index
    %get3A_40 = vector.load %arg2[%get3A_38, %get3A_39] : memref<8x128xi32, #tpu.memory_space<vmem>>, vector<1x128xi32>
    %mul3A_41 = vector.broadcast %get3A_40 : vector<1x128xi32> to vector<2048x128xi32>
    %mul3A_42 = arith.muli %add3A_32, %mul3A_41 : vector<2048x128xi32>
    %get3A_43 = arith.constant 3 : index
    %get3A_44 = arith.constant 0 : index
    %get3A_45 = vector.load %arg2[%get3A_43, %get3A_44] : memref<8x128xi32, #tpu.memory_space<vmem>>, vector<1x128xi32>
    %gt3A = arith.constant 0 : i32
    %gt3A_46 = vector.broadcast %gt3A : i32 to vector<1x128xi32>
    %gt3A_47 = arith.cmpi sgt, %get3A_45, %gt3A_46 : vector<1x128xi32>
    %add3A_48 = arith.addi %add3A_10, %mul3A_37 : vector<2048x128xi32>
    %add3A_49 = arith.addi %add3A_48, %mul3A_42 : vector<2048x128xi32>
    %xor3A = arith.xori %add3A_10, %mul3A_37 : vector<2048x128xi32>
    %xor3A_50 = arith.xori %xor3A, %mul3A_42 : vector<2048x128xi32>
    %broadcast_in_dim3A = vector.shape_cast %gt3A_47 : vector<1x128xi1> to vector<1x128xi1>
    %broadcast_in_dim3A_51 = vector.broadcast %broadcast_in_dim3A : vector<1x128xi1> to vector<2048x128xi1>
    %select_n3A = arith.select %broadcast_in_dim3A_51, %add3A_49, %xor3A_50 : vector<2048x128xi1>, vector<2048x128xi32>
    %and3A = arith.constant 524287 : i32
    %and3A_52 = vector.broadcast %and3A : i32 to vector<2048x128xi32>
    %and3A_53 = arith.andi %select_n3A, %and3A_52 : vector<2048x128xi32>
    %get3A_54 = arith.constant 2 : index
    %get3A_55 = arith.constant 0 : index
    %get3A_56 = vector.load %arg2[%get3A_54, %get3A_55] : memref<8x128xi32, #tpu.memory_space<vmem>>, vector<1x128xi32>
    %add3A_57 = vector.broadcast %get3A_56 : vector<1x128xi32> to vector<2048x128xi32>
    %add3A_58 = arith.addi %and3A_53, %add3A_57 : vector<2048x128xi32>
    %swap3A = arith.constant 0 : index
    %swap3A_59 = arith.constant 0 : index
    %swap3A_60 = vector.load %arg4[%swap3A, %swap3A_59] : memref<2048x128xi32, #tpu.memory_space<vmem>>, vector<2048x128xi32>
    tpu.vector_store %arg4[%swap3A, %swap3A_59], %add3A_58 {strides = array<i32>} : memref<2048x128xi32, #tpu.memory_space<vmem>>, vector<2048x128xi32>,
    return
  }
  func.func @transform_0(%arg0: i32) -> (i32, i32) {
    %c0_i32 = arith.constant 0 : i32
    %c0_i32_0 = arith.constant 0 : i32
    return %arg0, %c0_i32 : i32, i32
  }
  func.func @transform_1(%arg0: i32) -> (i32, i32) {
    %c0_i32 = arith.constant 0 : i32
    %c0_i32_0 = arith.constant 0 : i32
    %c0_i32_1 = arith.constant 0 : i32
    return %c0_i32, %c0_i32_0 : i32, i32
  }
  func.func @transform_2(%arg0: i32) -> (i32, i32) {
    %c0_i32 = arith.constant 0 : i32
    %c0_i32_0 = arith.constant 0 : i32
    %c0_i32_1 = arith.constant 0 : i32
    return %c0_i32, %c0_i32_0 : i32, i32
  }
  func.func @transform_3(%arg0: i32) -> (i32, i32) {
    %c0_i32 = arith.constant 0 : i32
    %c0_i32_0 = arith.constant 0 : i32
    return %arg0, %c0_i32 : i32, i32
  }
}

module attributes {stable_mosaic.version = 14 : i64} {
  func.func @_mlp_body(%arg0: i32, %arg1: memref<2048x3xf32, #tpu.memory_space<vmem>>, %arg2: memref<2048x256xf32, #tpu.memory_space<vmem>>, %arg3: memref<8x256xf32, #tpu.memory_space<vmem>>, %arg4: memref<256x64xf32, #tpu.memory_space<vmem>>, %arg5: memref<64x64xf32, #tpu.memory_space<vmem>>, %arg6: memref<64x64xf32, #tpu.memory_space<vmem>>, %arg7: memref<64x1xf32, #tpu.memory_space<vmem>>, %arg8: memref<2048x1xf32, #tpu.memory_space<vmem>>) attributes {dimension_semantics = [#tpu.dimension_semantics<arbitrary>], iteration_bounds = array<i64: 128>, scalar_prefetch = 0 : i64, scratch_operands = 0 : i64, tpu.core_type = #tpu.core_type<tc>, window_params = [{transform_indices = @transform_0, window_bounds = array<i64: 2048, 3>}, {transform_indices = @transform_1, window_bounds = array<i64: 2048, 256>}, {pipeline_mode = #tpu.pipeline_mode<synchronous>, transform_indices = @transform_2, window_bounds = array<i64: 8, 256>}, {pipeline_mode = #tpu.pipeline_mode<synchronous>, transform_indices = @transform_3, window_bounds = array<i64: 256, 64>}, {pipeline_mode = #tpu.pipeline_mode<synchronous>, transform_indices = @transform_4, window_bounds = array<i64: 64, 64>}, {pipeline_mode = #tpu.pipeline_mode<synchronous>, transform_indices = @transform_5, window_bounds = array<i64: 64, 64>}, {pipeline_mode = #tpu.pipeline_mode<synchronous>, transform_indices = @transform_6, window_bounds = array<i64: 64, 1>}, {transform_indices = @transform_7, window_bounds = array<i64: 2048, 1>}]} {
    %get3A = arith.constant 0 : index
    %get3A_0 = arith.constant 0 : index
    %get3A_1 = vector.load %arg1[%get3A, %get3A_0] : memref<2048x3xf32, #tpu.memory_space<vmem>>, vector<2048x3xf32>
    %get3A_2 = arith.constant 0 : index
    %get3A_3 = arith.constant 0 : index
    %get3A_4 = vector.load %arg3[%get3A_2, %get3A_3] : memref<8x256xf32, #tpu.memory_space<vmem>>, vector<1x256xf32>
    %slice3A = vector.extract_strided_slice %get3A_1 {offsets = [0, 0], sizes = [2048, 1], strides = [1, 1]} : vector<2048x3xf32> to vector<2048x1xf32>
    %mul3A = vector.broadcast %slice3A : vector<2048x1xf32> to vector<2048x256xf32>
    %mul3A_5 = vector.broadcast %get3A_4 : vector<1x256xf32> to vector<2048x256xf32>
    %mul3A_6 = arith.mulf %mul3A, %mul3A_5 : vector<2048x256xf32>
    %floor3A = math.floor %mul3A_6 : vector<2048x256xf32>
    %sub3A = arith.subf %mul3A_6, %floor3A : vector<2048x256xf32>
    %get3A_7 = arith.constant 1 : index
    %get3A_8 = arith.constant 0 : index
    %get3A_9 = vector.load %arg3[%get3A_7, %get3A_8] : memref<8x256xf32, #tpu.memory_space<vmem>>, vector<1x256xf32>
    %mul3A_10 = vector.broadcast %get3A_9 : vector<1x256xf32> to vector<2048x256xf32>
    %mul3A_11 = arith.mulf %mul3A_10, %sub3A : vector<2048x256xf32>
    %sub3A_12 = arith.constant 1.000000e+00 : f32
    %sub3A_13 = vector.broadcast %sub3A_12 : f32 to vector<1x256xf32>
    %sub3A_14 = arith.subf %sub3A_13, %get3A_9 : vector<1x256xf32>
    %sub3A_15 = arith.constant 1.000000e+00 : f32
    %sub3A_16 = vector.broadcast %sub3A_15 : f32 to vector<2048x256xf32>
    %sub3A_17 = arith.subf %sub3A_16, %sub3A : vector<2048x256xf32>
    %mul3A_18 = vector.broadcast %sub3A_14 : vector<1x256xf32> to vector<2048x256xf32>
    %mul3A_19 = arith.mulf %mul3A_18, %sub3A_17 : vector<2048x256xf32>
    %add3A = arith.addf %mul3A_11, %mul3A_19 : vector<2048x256xf32>
    %slice3A_20 = vector.extract_strided_slice %get3A_1 {offsets = [0, 1], sizes = [2048, 1], strides = [1, 1]} : vector<2048x3xf32> to vector<2048x1xf32>
    %mul3A_21 = vector.broadcast %slice3A_20 : vector<2048x1xf32> to vector<2048x256xf32>
    %mul3A_22 = vector.broadcast %get3A_4 : vector<1x256xf32> to vector<2048x256xf32>
    %mul3A_23 = arith.mulf %mul3A_21, %mul3A_22 : vector<2048x256xf32>
    %floor3A_24 = math.floor %mul3A_23 : vector<2048x256xf32>
    %sub3A_25 = arith.subf %mul3A_23, %floor3A_24 : vector<2048x256xf32>
    %get3A_26 = arith.constant 2 : index
    %get3A_27 = arith.constant 0 : index
    %get3A_28 = vector.load %arg3[%get3A_26, %get3A_27] : memref<8x256xf32, #tpu.memory_space<vmem>>, vector<1x256xf32>
    %mul3A_29 = vector.broadcast %get3A_28 : vector<1x256xf32> to vector<2048x256xf32>
    %mul3A_30 = arith.mulf %mul3A_29, %sub3A_25 : vector<2048x256xf32>
    %sub3A_31 = arith.constant 1.000000e+00 : f32
    %sub3A_32 = vector.broadcast %sub3A_31 : f32 to vector<1x256xf32>
    %sub3A_33 = arith.subf %sub3A_32, %get3A_28 : vector<1x256xf32>
    %sub3A_34 = arith.constant 1.000000e+00 : f32
    %sub3A_35 = vector.broadcast %sub3A_34 : f32 to vector<2048x256xf32>
    %sub3A_36 = arith.subf %sub3A_35, %sub3A_25 : vector<2048x256xf32>
    %mul3A_37 = vector.broadcast %sub3A_33 : vector<1x256xf32> to vector<2048x256xf32>
    %mul3A_38 = arith.mulf %mul3A_37, %sub3A_36 : vector<2048x256xf32>
    %add3A_39 = arith.addf %mul3A_30, %mul3A_38 : vector<2048x256xf32>
    %mul3A_40 = arith.mulf %add3A, %add3A_39 : vector<2048x256xf32>
    %slice3A_41 = vector.extract_strided_slice %get3A_1 {offsets = [0, 2], sizes = [2048, 1], strides = [1, 1]} : vector<2048x3xf32> to vector<2048x1xf32>
    %mul3A_42 = vector.broadcast %slice3A_41 : vector<2048x1xf32> to vector<2048x256xf32>
    %mul3A_43 = vector.broadcast %get3A_4 : vector<1x256xf32> to vector<2048x256xf32>
    %mul3A_44 = arith.mulf %mul3A_42, %mul3A_43 : vector<2048x256xf32>
    %floor3A_45 = math.floor %mul3A_44 : vector<2048x256xf32>
    %sub3A_46 = arith.subf %mul3A_44, %floor3A_45 : vector<2048x256xf32>
    %get3A_47 = arith.constant 3 : index
    %get3A_48 = arith.constant 0 : index
    %get3A_49 = vector.load %arg3[%get3A_47, %get3A_48] : memref<8x256xf32, #tpu.memory_space<vmem>>, vector<1x256xf32>
    %mul3A_50 = vector.broadcast %get3A_49 : vector<1x256xf32> to vector<2048x256xf32>
    %mul3A_51 = arith.mulf %mul3A_50, %sub3A_46 : vector<2048x256xf32>
    %sub3A_52 = arith.constant 1.000000e+00 : f32
    %sub3A_53 = vector.broadcast %sub3A_52 : f32 to vector<1x256xf32>
    %sub3A_54 = arith.subf %sub3A_53, %get3A_49 : vector<1x256xf32>
    %sub3A_55 = arith.constant 1.000000e+00 : f32
    %sub3A_56 = vector.broadcast %sub3A_55 : f32 to vector<2048x256xf32>
    %sub3A_57 = arith.subf %sub3A_56, %sub3A_46 : vector<2048x256xf32>
    %mul3A_58 = vector.broadcast %sub3A_54 : vector<1x256xf32> to vector<2048x256xf32>
    %mul3A_59 = arith.mulf %mul3A_58, %sub3A_57 : vector<2048x256xf32>
    %add3A_60 = arith.addf %mul3A_51, %mul3A_59 : vector<2048x256xf32>
    %mul3A_61 = arith.mulf %mul3A_40, %add3A_60 : vector<2048x256xf32>
    %get3A_62 = arith.constant 0 : index
    %get3A_63 = arith.constant 0 : index
    %get3A_64 = vector.load %arg2[%get3A_62, %get3A_63] : memref<2048x256xf32, #tpu.memory_space<vmem>>, vector<2048x256xf32>
    %mul3A_65 = arith.mulf %get3A_64, %mul3A_61 : vector<2048x256xf32>
    %get3A_66 = arith.constant 0 : index
    %get3A_67 = arith.constant 0 : index
    %get3A_68 = vector.load %arg4[%get3A_66, %get3A_67] : memref<256x64xf32, #tpu.memory_space<vmem>>, vector<256x64xf32>
    %dot_general3A = arith.constant dense<0.000000e+00> : vector<2048x64xf32>
    %dot_general3A_69 = tpu.matmul %mul3A_65, %get3A_68, %dot_general3A {dimension_numbers = #tpu.dot_dimension_numbers<[1], [0], [0], [1], [0, 0, 1, 1], [], []>, transpose_lhs_hint = false} : vector<2048x256xf32>, vector<256x64xf32>, vector<2048x64xf32> -> vector<2048x64xf32>
    %max3A = arith.constant 0.000000e+00 : f32
    %max3A_70 = vector.broadcast %max3A : f32 to vector<2048x64xf32>
    %max3A_71 = arith.maximumf %dot_general3A_69, %max3A_70 : vector<2048x64xf32>
    %abs3A = math.absf %dot_general3A_69 : vector<2048x64xf32>
    %neg3A = arith.constant 0.000000e+00 : f32
    %neg3A_72 = vector.broadcast %neg3A : f32 to vector<2048x64xf32>
    %neg3A_73 = arith.subf %neg3A_72, %abs3A : vector<2048x64xf32>
    %exp3A = math.exp %neg3A_73 : vector<2048x64xf32>
    %log1p3A = math.log1p %exp3A : vector<2048x64xf32>
    %add3A_74 = arith.addf %max3A_71, %log1p3A : vector<2048x64xf32>
    %get3A_75 = arith.constant 0 : index
    %get3A_76 = arith.constant 0 : index
    %get3A_77 = vector.load %arg5[%get3A_75, %get3A_76] : memref<64x64xf32, #tpu.memory_space<vmem>>, vector<64x64xf32>
    %dot_general3A_78 = arith.constant dense<0.000000e+00> : vector<2048x64xf32>
    %dot_general3A_79 = tpu.matmul %add3A_74, %get3A_77, %dot_general3A_78 {dimension_numbers = #tpu.dot_dimension_numbers<[1], [0], [0], [1], [0, 0, 1, 1], [], []>, transpose_lhs_hint = false} : vector<2048x64xf32>, vector<64x64xf32>, vector<2048x64xf32> -> vector<2048x64xf32>
    %max3A_80 = arith.constant 0.000000e+00 : f32
    %max3A_81 = vector.broadcast %max3A_80 : f32 to vector<2048x64xf32>
    %max3A_82 = arith.maximumf %dot_general3A_79, %max3A_81 : vector<2048x64xf32>
    %abs3A_83 = math.absf %dot_general3A_79 : vector<2048x64xf32>
    %neg3A_84 = arith.constant 0.000000e+00 : f32
    %neg3A_85 = vector.broadcast %neg3A_84 : f32 to vector<2048x64xf32>
    %neg3A_86 = arith.subf %neg3A_85, %abs3A_83 : vector<2048x64xf32>
    %exp3A_87 = math.exp %neg3A_86 : vector<2048x64xf32>
    %log1p3A_88 = math.log1p %exp3A_87 : vector<2048x64xf32>
    %add3A_89 = arith.addf %max3A_82, %log1p3A_88 : vector<2048x64xf32>
    %get3A_90 = arith.constant 0 : index
    %get3A_91 = arith.constant 0 : index
    %get3A_92 = vector.load %arg6[%get3A_90, %get3A_91] : memref<64x64xf32, #tpu.memory_space<vmem>>, vector<64x64xf32>
    %dot_general3A_93 = arith.constant dense<0.000000e+00> : vector<2048x64xf32>
    %dot_general3A_94 = tpu.matmul %add3A_89, %get3A_92, %dot_general3A_93 {dimension_numbers = #tpu.dot_dimension_numbers<[1], [0], [0], [1], [0, 0, 1, 1], [], []>, transpose_lhs_hint = false} : vector<2048x64xf32>, vector<64x64xf32>, vector<2048x64xf32> -> vector<2048x64xf32>
    %max3A_95 = arith.constant 0.000000e+00 : f32
    %max3A_96 = vector.broadcast %max3A_95 : f32 to vector<2048x64xf32>
    %max3A_97 = arith.maximumf %dot_general3A_94, %max3A_96 : vector<2048x64xf32>
    %abs3A_98 = math.absf %dot_general3A_94 : vector<2048x64xf32>
    %neg3A_99 = arith.constant 0.000000e+00 : f32
    %neg3A_100 = vector.broadcast %neg3A_99 : f32 to vector<2048x64xf32>
    %neg3A_101 = arith.subf %neg3A_100, %abs3A_98 : vector<2048x64xf32>
    %exp3A_102 = math.exp %neg3A_101 : vector<2048x64xf32>
    %log1p3A_103 = math.log1p %exp3A_102 : vector<2048x64xf32>
    %add3A_104 = arith.addf %max3A_97, %log1p3A_103 : vector<2048x64xf32>
    %get3A_105 = arith.constant 0 : index
    %get3A_106 = arith.constant 0 : index
    %get3A_107 = vector.load %arg7[%get3A_105, %get3A_106] : memref<64x1xf32, #tpu.memory_space<vmem>>, vector<64x1xf32>
    %dot_general3A_108 = arith.constant dense<0.000000e+00> : vector<2048x1xf32>
    %dot_general3A_109 = tpu.matmul %add3A_104, %get3A_107, %dot_general3A_108 {dimension_numbers = #tpu.dot_dimension_numbers<[1], [0], [0], [1], [0, 0, 1, 1], [], []>, transpose_lhs_hint = false} : vector<2048x64xf32>, vector<64x1xf32>, vector<2048x1xf32> -> vector<2048x1xf32>
    %swap3A = arith.constant 0 : index
    %swap3A_110 = arith.constant 0 : index
    %swap3A_111 = vector.load %arg8[%swap3A, %swap3A_110] : memref<2048x1xf32, #tpu.memory_space<vmem>>, vector<2048x1xf32>
    tpu.vector_store %arg8[%swap3A, %swap3A_110], %dot_general3A_109 {strides = array<i32>} : memref<2048x1xf32, #tpu.memory_space<vmem>>, vector<2048x1xf32>,
    return
  }
  func.func @transform_0(%arg0: i32) -> (i32, i32) {
    %c0_i32 = arith.constant 0 : i32
    %c0_i32_0 = arith.constant 0 : i32
    return %arg0, %c0_i32 : i32, i32
  }
  func.func @transform_1(%arg0: i32) -> (i32, i32) {
    %c0_i32 = arith.constant 0 : i32
    %c0_i32_0 = arith.constant 0 : i32
    return %arg0, %c0_i32 : i32, i32
  }
  func.func @transform_2(%arg0: i32) -> (i32, i32) {
    %c0_i32 = arith.constant 0 : i32
    %c0_i32_0 = arith.constant 0 : i32
    %c0_i32_1 = arith.constant 0 : i32
    return %c0_i32, %c0_i32_0 : i32, i32
  }
  func.func @transform_3(%arg0: i32) -> (i32, i32) {
    %c0_i32 = arith.constant 0 : i32
    %c0_i32_0 = arith.constant 0 : i32
    %c0_i32_1 = arith.constant 0 : i32
    return %c0_i32, %c0_i32_0 : i32, i32
  }
  func.func @transform_4(%arg0: i32) -> (i32, i32) {
    %c0_i32 = arith.constant 0 : i32
    %c0_i32_0 = arith.constant 0 : i32
    %c0_i32_1 = arith.constant 0 : i32
    return %c0_i32, %c0_i32_0 : i32, i32
  }
  func.func @transform_5(%arg0: i32) -> (i32, i32) {
    %c0_i32 = arith.constant 0 : i32
    %c0_i32_0 = arith.constant 0 : i32
    %c0_i32_1 = arith.constant 0 : i32
    return %c0_i32, %c0_i32_0 : i32, i32
  }
  func.func @transform_6(%arg0: i32) -> (i32, i32) {
    %c0_i32 = arith.constant 0 : i32
    %c0_i32_0 = arith.constant 0 : i32
    %c0_i32_1 = arith.constant 0 : i32
    return %c0_i32, %c0_i32_0 : i32, i32
  }
  func.func @transform_7(%arg0: i32) -> (i32, i32) {
    %c0_i32 = arith.constant 0 : i32
    %c0_i32_0 = arith.constant 0 : i32
    return %arg0, %c0_i32 : i32, i32
  }
}

</mosaic_0001>

<sc_bundles>
// kernel: kernel.5.cloned.1.call-start
scs
__scs_entry_jumppad:
0x0: {  	(pc) =	sbr.rel $0x88, $3  }
0x1: {  	(tag) =	ssettag $0x0;
	lr =	simm.s32 $0x1  }
0x2: {  	[smem:$0x3F9B] =	sst lr;
	_ =	strace $0xD0000000  }
0x3: {  	_ = 	snop  }
0x4: {  	_ = 	snop  }
0x5: {  	_ = 	snop  }
0x6: {  	_ = 	snop  }
0x7: {  	_ = 	snop  }
__scs_overlays_trampoline_lowered:
0x8: {  	[smem:$0x3FAA] =	sst s0  }
0x9: {  	[smem:$0x3FAB] =	sst s1  }
0xa: {  	[smem:$0x3FAC] =	sst s2  }
0xb: {  	[smem:$0x3FAD] =	sst s3  }
0xc: {  	[smem:$0x3FAE] =	sst s4  }
0xd: {  	[smem:$0x3FAF] =	sst s5  }
0xe: {  	[smem:$0x3FB0] =	sst s6  }
0xf: {  	[smem:$0x3FB1] =	sst s7  }
0x10: {  	[smem:$0x3FB2] =	sst s8  }
0x11: {  	[smem:$0x3FB3] =	sst s9;
	s0 =	simm.s32 @!p0 $0x0  }
0x12: {  	s1 =	sld [smem:$0x3F99];
	s0 =	simm.s32 @p0 $0x1  }
0x13: {  	[smem:$0x3FB4] =	sst s0;
	s0 =	simm.s32 @!p1 $0x0  }
0x14: {  	s2 =	sld [smem:$0x3F98];
	s0 =	simm.s32 @p1 $0x1  }
0x15: {  	[smem:$0x3FB5] =	sst s0;
	s0 =	simm.s32 @!p2 $0x0  }
0x16: {  	s3 =	sld [smem:$0x3FDB];
	s0 =	simm.s32 @p2 $0x1  }
0x17: {  	s4 =	simm.s32 $0x1BF5;
	[smem:$0x3FB7] =	sst s0  }
0x18: {  	s0 =	sld [smem:$0x3F9A];
	_ =	swait.ge [sflag:s4], $0x0  }
0x19: {  	s7 =	sld [smem:$0x3F9B]  }
0x1a: {  	s8 =	sadd.s32 $0xFFFFE003, lr  }
0x1b: {  	s9 =	sadd.s32 $0xFFFFFEF7, lr;
	s5 =	simm.s32 $0xFFFFFFFF;
	p2 =	slt.u32 s8, $0xFFFFF086  }
0x1c: {  	p1 =	slt.u32 s9, $0xF7A;
	s5 =	simm.s32 @!p2 $0x0  }
0x1d: {  	s5 =	simm.s32 @p1 $0x1;
	p0 =	seq.s32 s7, s2  }
0x1e: {  	s7 =	smul.u32 @!p0 $0xF7A, s2;
	p2 =	seq.s32 @!p0 s5, $0x0  }
0x1f: {  	s9 =	smul.u32 $0xF7A, s1;
	s8 =	simm.s32 @!p0 $0x1BF5;
	p2 =	por !p2, p0  }
0x20: {  	[sflag:s8] =	ssyncset.s32 @!p0 $0xFFFFF086;
	s6 =	sadd.s32 @!p0 s3, s7;
	s7 =	simm.s32 @!p0 $0x108  }
0x21: {  	s3 =	sadd.s32 s3, s9;
	s6 =	sadd.s32 @!p0 $0x88, s6;
	s7 =	simm.s32 @p2 $0x1082  }
0x22: {  	[simem:s7], [sflag:s8] =	dma.local @!p0 [hbm:s6], $0xF7A  }
0x23: {  	s9 =	sor.u32 $0xD0000000, s2;
	s6 =	simm.s32 $0x108;
	_ =	swait.ge @!p0 [sflag:s8], $0x0  }
0x24: {  	s3 =	sadd.s32 $0x88, s3;
	s6 =	simm.s32 @!p1 $0x1082;
	[sflag:s4] =	ssyncset.s32 $0xFFFFF086  }
0x25: {  	[simem:s6], [sflag:s4] =	dma.local [hbm:s3], $0xF7A  }
0x26: {  	[smem:$0x3F9B] =	sst s1;
	(tag) =	ssettag s2;
	_ =	strace s9  }
0x27: {  	s1 =	sld [smem:$0x3FAB]  }
0x28: {  	s2 =	sld [smem:$0x3FAC]  }
0x29: {  	s4 =	sld [smem:$0x3FAE]  }
0x2a: {  	p0 =	seq.s32 s5, $0x0;
	s5 =	sld [smem:$0x3FAF]  }
0x2b: {  	s6 =	sld [smem:$0x3FB0]  }
0x2c: {  	s7 =	sld [smem:$0x3FB1]  }
0x2d: {  	s3 =	simm.s32 $0x108;
	s8 =	sld [smem:$0x3FB2]  }
0x2e: {  	s3 =	simm.s32 @!p0 $0x1082;
	s9 =	sld [smem:$0x3FB3]  }
0x2f: {  	lr =	sadd.s32 s0, s3;
	s0 =	sld [smem:$0x3FAA]  }
0x30: {  	s3 =	sld [smem:$0x3FAD]  }
0x31: {  	[smem:$0x3FB6] =	sst s10  }
0x32: {  	s10 =	sld [smem:$0x3FB4];
	_ =	sdelay $0x3  }
0x33: {  	p0 =	seq.s32 s10, $0x1;
	s10 =	sld [smem:$0x3FB6];
	_ =	sdelay $0x3  }
0x34: {  	[smem:$0x3FB6] =	sst s10  }
0x35: {  	s10 =	sld [smem:$0x3FB5];
	_ =	sdelay $0x3  }
0x36: {  	p1 =	seq.s32 s10, $0x1;
	s10 =	sld [smem:$0x3FB6];
	_ =	sdelay $0x3  }
0x37: {  	[smem:$0x3FB6] =	sst s10  }
0x38: {  	s10 =	sld [smem:$0x3FB7]  }
0x39: {  	_ = 	snop;
	(pc) =	sbr.ind lr, $3  }
0x3a: {  	_ = 	snop  }
0x3b: {  	_ = 	snop  }
0x3c: {  	p2 =	seq.s32 s10, $0x1;
	s10 =	sld [smem:$0x3FB6]  }
0x3d: {  	_ =	shalt  }
0x3e: {  	_ =	shalt  }
0x3f: {  	_ =	shalt  }
0x40: {  	_ =	shalt  }
0x41: {  	_ =	shalt  }
0x42: {  	_ =	shalt  }
0x43: {  	_ =	shalt  }
0x44: {  	_ =	shalt  }
0x45: {  	_ =	shalt  }
0x46: {  	_ =	shalt  }
0x47: {  	_ =	shalt  }
0x48: {  	_ =	shalt  }
0x49: {  	_ =	shalt  }
0x4a: {  	_ =	shalt  }
0x4b: {  	_ =	shalt  }
0x4c: {  	_ =	shalt  }
0x4d: {  	_ =	shalt  }
0x4e: {  	_ =	shalt  }
0x4f: {  	_ =	shalt  }
0x50: {  	_ =	shalt  }
0x51: {  	_ =	shalt  }
0x52: {  	_ =	shalt  }
0x53: {  	_ =	shalt  }
0x54: {  	_ =	shalt  }
0x55: {  	_ =	shalt  }
0x56: {  	_ =	shalt  }
0x57: {  	_ =	shalt  }
0x58: {  	_ =	shalt  }
0x59: {  	_ =	shalt  }
0x5a: {  	_ =	shalt  }
0x5b: {  	_ =	shalt  }
0x5c: {  	_ =	shalt  }
0x5d: {  	_ =	shalt  }
0x5e: {  	_ =	shalt  }
0x5f: {  	_ =	shalt  }
0x60: {  	_ =	shalt  }
0x61: {  	_ =	shalt  }
0x62: {  	_ =	shalt  }
0x63: {  	_ =	shalt  }
0x64: {  	_ =	shalt  }
0x65: {  	_ =	shalt  }
0x66: {  	_ =	shalt  }
0x67: {  	_ =	shalt  }
0x68: {  	_ =	shalt  }
0x69: {  	_ =	shalt  }
0x6a: {  	_ =	shalt  }
0x6b: {  	_ =	shalt  }
0x6c: {  	_ =	shalt  }
0x6d: {  	_ =	shalt  }
0x6e: {  	_ =	shalt  }
0x6f: {  	_ =	shalt  }
0x70: {  	_ =	shalt  }
0x71: {  	_ =	shalt  }
0x72: {  	_ =	shalt  }
0x73: {  	_ =	shalt  }
0x74: {  	_ =	shalt  }
0x75: {  	_ =	shalt  }
0x76: {  	_ =	shalt  }
0x77: {  	_ =	shalt  }
0x78: {  	_ =	shalt  }
0x79: {  	_ =	shalt  }
0x7a: {  	_ =	shalt  }
0x7b: {  	_ =	shalt  }
0x7c: {  	_ =	shalt  }
0x7d: {  	_ =	shalt  }
0x7e: {  	_ =	shalt  }
0x7f: {  	_ =	shalt  }
0x80: {  	_ =	shalt  }
0x81: {  	_ =	shalt  }
0x82: {  	_ =	shalt  }
0x83: {  	_ =	shalt  }
0x84: {  	_ =	shalt  }
0x85: {  	_ =	shalt  }
0x86: {  	_ =	shalt  }
0x87: {  	_ =	shalt  }
.Lfunc_end0:
.L_simem_size_0:
called_computation_lowered:
.L_overlay_start_0:
0x88: {  	s2 =	sld [smem:$0x3FD9]  }
0x89: {  	s3 =	sld [smem:$0x3FFE];
	_ =	sdelay $0x1  }
0x8a: {  	s1 =	srdreg.scid  }
0x8b: {  	s0 =	sand.u32 $0x1, s1  }
0x8c: {  	s16 =	sshll.u32 s0, $0xA;
	s2 =	sadd.s32 s3, s2  }
0x8d: {  	s2 =	sadd.s32 s2, s16  }
0x8e: {  	[smem:$0x3FC2] =	sst s2  }
0x8f: {  	_ = 	snop  }
0x90: {  	(tm) =	ssettm $0x1  }
0x91: {  	s17 =	sld [smem:$0x3FFB];
	_ =	sdelay $0x3  }
0x92: {  	_ =	strace s17  }
0x93: {  	s2 =	sld [smem:$0x3FFC];
	_ =	sdelay $0x3  }
0x94: {  	_ =	strace s2  }
0x95: {  	s2 =	sld [smem:$0x3FFD];
	_ =	sdelay $0x3  }
0x96: {  	_ =	strace s2  }
0x97: {  	_ =	strace $0x8FFFFFFF  }
0x98: {  	s18 =	sld [smem:$0x3FDB];
	_ =	sdelay $0x1  }
0x99: {  	s19 =	simm.s32 $_scs_section_size  }
0x9a: {  	s4 =	simm.s32 $_size__tile_overlayer_lowered;
	s5 =	simm.s32 $_tile_overlayer_lowered  }
0x9b: {  	s22 =	simm.s32 $0x1BFF;
	s21 =	sshll.u32 s5, $0x1;
	s2 =	sadd.s32 s19, s18  }
0x9c: {  	s6 =	simm.s32 $0x0;
	s20 =	sshll.u32 s4, $0x1;
	s4 =	sadd.s32 s21, s2  }
0x9d: {  	[timem:s6], [sflag:s22] =	dma.local [hbm:s4], s20  }
0x9e: {  	_ =	swait.ge [sflag:s22], s20  }
0x9f: {  	s3 =	ssub.s32 $0x0, s20;
	[sflag:s22] =	ssyncset.done $0x0  }
0xa0: {  	[sflag:s22] =	ssyncadd.s32 s3;
	_ =	sdelay $0x1  }
0xa1: {  	s23 =	simm.s32 $0x1B8B  }
0xa2: {  	_ =	swait.ge [sflag:s23], $0x1  }
0xa3: {  	[sflag:s23] =	ssyncset.done $0x0  }
0xa4: {  	s25 =	simm.s32 $0x1B8E;
	s24 =	sld [smem:$0x3FFE];
	[sflag:s23] =	ssyncadd.s32 $0xFFFFFFFF  }
0xa5: {  	s26 =	simm.s32 $execute0_lowered;
	[smem:$0x3FD2] =	sst s25  }
0xa6: {  	s4 =	sshll.u32 s26, $0x1;
	_ =	strace $0x80000046;
	[dreg:$0x1] =	wrdreg $0xFFFFFFFF  }
0xa7: {  	s28 =	simm.s32 $_size_execute0_lowered;
	s2 =	sadd.s32 s2, s4;
	[dreg:$0x0] =	wrdreg $0x0  }
0xa8: {  	s4 =	sshll.u32 s28, $0x1;
	[dreg:$0x2] =	wrdreg s2  }
0xa9: {  	[dreg:$0x3] =	wrdreg s4  }
0xaa: {  	[dreg:$0x4] =	wrdreg $0xC0  }
0xab: {  	_ =	task [dreg:s6], $0x5FFFF  }
0xac: {  	[dreg:$0x1] =	wrdreg $0xFFFFFFFF  }
0xad: {  	[dreg:$0x0] =	wrdreg $0x60  }
0xae: {  	[dreg:$0x2] =	wrdreg s24  }
0xaf: {  	[dreg:$0x3] =	wrdreg $0x9  }
0xb0: {  	_ =	task.clear_ibuf [dreg:s6], $0x4FFFF;
	_ =	strace $0x90000046  }
0xb1: {  	s29 =	simm.s32 $0x9;
	_ =	strace $0x80000048  }
0xb2: {  	_ =	swait.ge [sflag:s29], $0x1  }
0xb3: {  	[sflag:s29] =	ssyncadd.s32 $0xFFFFFFFF  }
0xb4: {  	_ =	strace $0x90000048  }
0xb5: {  	_ =	sfence  }
0xb6: {  	s30 =	sld [smem:$0x0];
	_ =	sdelay $0x2  }
0xb7: {  	s31 =	sshll.u32 s1, $0xD;
	s1 =	sshrl.u32 s1, $0x2  }
0xb8: {  	s3 =	sand.u32 $0x4000, s31;
	s1 =	sadd.s32 s1, s30  }
0xb9: {  	s0 =	sor.u32 s3, s0;
	s1 =	sshll.u32 s1, $0x11  }
0xba: {  	s0 =	sor.u32 s1, s0  }
0xbb: {  	s0 =	sadd.s32 $0x8F2B, s0  }
0xbc: {  	[sflag:s0] =	ssyncadd.remote.s32 $0x1  }
0xbd: {  	_ =	sfence.sel $0xFFFF  }
0xbe: {  	[dreg:$0x0] =	wrdreg $0xFFFFFFFF;
	(pc) =	sbr.abs _section_cstart, $3  }
0xbf: {  	[dreg:$0x1] =	wrdreg $0xFFFFFFFF  }
0xc0: {  	_ =	task.clear_ibuf [dreg:s6], $0x2FFFF;
	_ =	strace $0x9FFFFFFF  }
0xc1: {  	(tm) =	ssettm $0x7FFFFFFF  }
tec
execute0_lowered:
.L_overlay_start_1:
0x0: {  	(tag) =	ssettag $0x1  }
0x1: {  	s0 =	srdreg.scid  }
0x2: {  	s1 =	stileid.u32;
	s4 =	rddreg [dreg:$0x0]  }
0x3: {  	s18 =	simm.s32 $0xC00;
	s19 =	simm.s32 $0x100;
	s20 =	simm.s32 $0x1000  }
0x4: {  	s22 =	simm.s32 $0x180;
	s23 =	simm.s32 $0x1400;
	s24 =	simm.s32 $0x200  }
0x5: {  	s25 =	simm.s32 $0x1800;
	s6 =	simm.s32 $0x2;
	s26 =	simm.s32 $0x280  }
0x6: {  	s7 =	simm.s32 $0x80;
	s31 =	simm.s32 $0x1C00;
	s8 =	simm.s32 $0x800  }
0x7: {  	s9 =	simm.s32 $0x300;
	s10 =	simm.s32 $0x2000;
	s0 =	sand.u32 $0x1, s0  }
0x8: {  	s11 =	simm.s32 $0x380;
	s1 =	sshll.u32 s1, $0x15;
	s2 =	sshll.u32 s0, $0x14  }
0x9: {  	s12 =	simm.s32 $0x2400;
	s1 =	sor.u32 s2, s1;
	s2 =	simm.s32 $0x0  }
0xa: {  	s13 =	simm.s32 $0x400;
	s14 =	simm.s32 $0x2800;
	[smem:$0x7FF] =	sst s2  }
0xb: {  	s15 =	simm.s32 $0x480;
	_ =	strace $0x80000047;
	[dreg:$0x3] =	wrdreg s18  }
0xc: {  	s16 =	simm.s32 $0x2C00;
	s17 =	simm.s32 $0x500;
	[dreg:$0x4] =	wrdreg s19  }
0xd: {  	s28 =	simm.s32 $0x780;
	s29 =	simm.s32 $0x4400;
	[dreg:$0x5] =	wrdreg s20  }
0xe: {  	s30 =	simm.s32 $0x1;
	s0 =	ssub.s32 $0x2, s0;
	[dreg:$0x6] =	wrdreg s22  }
0xf: {  	s21 =	sshrl.u32 s0, $0x1;
	s3 =	sshrl.u32 s1, $0x3;
	[dreg:$0x7] =	wrdreg s23  }
0x10: {  	s1 =	sadd.s32 s1, s4;
	s0 =	ssub.s32 s0, s21;
	[dreg:$0x8] =	wrdreg s24  }
0x11: {  	s21 =	simm.s32 $0x600;
	s3 =	sadd.s32 s3, s4;
	[dreg:$0x9] =	wrdreg s25  }
0x12: {  	s0 =	smax.u32 s0, $0x1;
	s1 =	sadd.s32 $0x1001800, s1;
	[dreg:$0xa] =	wrdreg s26  }
0x13: {  	[dreg:$0xb] =	wrdreg s31;
	s18 =	simm.s32 $0x3000;
	s19 =	simm.s32 $0x580  }
0x14: {  	s20 =	simm.s32 $0x3400;
	s22 =	simm.s32 $0x3800;
	s23 =	simm.s32 $0x680  }
0x15: {  	s24 =	simm.s32 $0x3C00;
	s25 =	simm.s32 $0x700;
	[dreg:$0xc] =	wrdreg s0  }
0x16: {  	s26 =	simm.s32 $0x4000;
	s5 =	sadd.s32 $0xC01800, s3;
	[dreg:$0xd] =	wrdreg s1  }
0x17: {  	s3 =	sadd.s32 $0x401800, s4;
	s1 =	simm.s32 $0x0;
	[dreg:$0x2] =	wrdreg s5  }
.LBB2_1:
0x18: {  	s0 =	rddreg [dreg:$0x2]  }
0x19: {  	[dreg:$0xe] =	wrdreg s1;
	s0 =	sadd.s32 $0x0, s0  }
0x1a: {  	[tilespmem:s2], [sflag:$0x2] =	stream.linear.gather [hbm4b:s0+s2], $0x800, $0x38;
	[tilespmem:$0x4800] =	vst v63  }
0x1b: {  	_ =	swait.ge [sflag:s6], $0x800  }
0x1c: {  	s0 =	rddreg [dreg:$0x4]  }
0x1d: {  	[sflag:s6] =	ssyncset.done $0x0;
	s31 =	rddreg [dreg:$0x3]  }
0x1e: {  	s5 =	rddreg [dreg:$0x5];
	[sflag:s6] =	ssyncadd.s32 $0xFFFFF800  }
0x1f: {  	[tilespmem:s8], [sflag:$0x1] =	stream.indirect.gather [hbm4b:s3+s7], $0x2, s2, s7, $0xb8;
	[tilespmem:$0x4800] =	vst v63  }
0x20: {  	s4 =	rddreg [dreg:$0x7]  }
0x21: {  	[tilespmem:s31], [sflag:$0x1] =	stream.indirect.gather [hbm4b:s3+s7], $0x2, s7, s7, $0xb8;
	[tilespmem:$0x4800] =	vst v63  }
0x22: {  	s31 =	rddreg [dreg:$0x6]  }
0x23: {  	[tilespmem:s5], [sflag:$0x1] =	stream.indirect.gather [hbm4b:s3+s7], $0x2, s0, s7, $0xb8;
	[tilespmem:$0x4800] =	vst v63  }
0x24: {  	s0 =	rddreg [dreg:$0x9]  }
0x25: {  	s5 =	rddreg [dreg:$0x8]  }
0x26: {  	[tilespmem:s4], [sflag:$0x1] =	stream.indirect.gather [hbm4b:s3+s7], $0x2, s31, s7, $0xb8;
	[tilespmem:$0x4800] =	vst v63  }
0x27: {  	s4 =	rddreg [dreg:$0xb]  }
0x28: {  	[tilespmem:s0], [sflag:$0x1] =	stream.indirect.gather [hbm4b:s3+s7], $0x2, s5, s7, $0xb8;
	[tilespmem:$0x4800] =	vst v63  }
0x29: {  	s31 =	rddreg [dreg:$0xa]  }
0x2a: {  	[tilespmem:s4], [sflag:$0x1] =	stream.indirect.gather [hbm4b:s3+s7], $0x2, s31, s7, $0xb8;
	[tilespmem:$0x4800] =	vst v63  }
0x2b: {  	_ = 	snop  }
0x2c: {  	[tilespmem:s10], [sflag:$0x1] =	stream.indirect.gather [hbm4b:s3+s7], $0x2, s9, s7, $0xb8;
	[tilespmem:$0x4800] =	vst v63  }
0x2d: {  	_ = 	snop  }
0x2e: {  	[tilespmem:s12], [sflag:$0x1] =	stream.indirect.gather [hbm4b:s3+s7], $0x2, s11, s7, $0xb8;
	[tilespmem:$0x4800] =	vst v63  }
0x2f: {  	_ = 	snop  }
0x30: {  	[tilespmem:s14], [sflag:$0x1] =	stream.indirect.gather [hbm4b:s3+s7], $0x2, s13, s7, $0xb8;
	[tilespmem:$0x4800] =	vst v63  }
0x31: {  	_ = 	snop  }
0x32: {  	[tilespmem:s16], [sflag:$0x1] =	stream.indirect.gather [hbm4b:s3+s7], $0x2, s15, s7, $0xb8;
	[tilespmem:$0x4800] =	vst v63  }
0x33: {  	_ = 	snop  }
0x34: {  	[tilespmem:s18], [sflag:$0x1] =	stream.indirect.gather [hbm4b:s3+s7], $0x2, s17, s7, $0xb8;
	[tilespmem:$0x4800] =	vst v63  }
0x35: {  	_ = 	snop  }
0x36: {  	[tilespmem:s20], [sflag:$0x1] =	stream.indirect.gather [hbm4b:s3+s7], $0x2, s19, s7, $0xb8;
	[tilespmem:$0x4800] =	vst v63  }
0x37: {  	_ = 	snop  }
0x38: {  	[tilespmem:s22], [sflag:$0x1] =	stream.indirect.gather [hbm4b:s3+s7], $0x2, s21, s7, $0xb8;
	[tilespmem:$0x4800] =	vst v63  }
0x39: {  	_ = 	snop  }
0x3a: {  	[tilespmem:s24], [sflag:$0x1] =	stream.indirect.gather [hbm4b:s3+s7], $0x2, s23, s7, $0xb8;
	[tilespmem:$0x4800] =	vst v63  }
0x3b: {  	_ = 	snop  }
0x3c: {  	[tilespmem:s26], [sflag:$0x1] =	stream.indirect.gather [hbm4b:s3+s7], $0x2, s25, s7, $0xb8;
	[tilespmem:$0x4800] =	vst v63  }
0x3d: {  	_ = 	snop  }
0x3e: {  	[tilespmem:s29], [sflag:$0x1] =	stream.indirect.gather [hbm4b:s3+s7], $0x2, s28, s7, $0xb8;
	[tilespmem:$0x4800] =	vst v63  }
0x3f: {  	_ =	swait.ge [sflag:s30], $0x100  }
0x40: {  	[sflag:s30] =	ssyncset.done $0x0  }
0x41: {  	[sflag:s30] =	ssyncadd.s32 $0xFFFFFF00  }
0x42: {  	_ =	swait.ge [sflag:s30], $0x100  }
0x43: {  	[sflag:s30] =	ssyncset.done $0x0  }
0x44: {  	[sflag:s30] =	ssyncadd.s32 $0xFFFFFF00  }
0x45: {  	_ =	swait.ge [sflag:s30], $0x100  }
0x46: {  	[sflag:s30] =	ssyncset.done $0x0  }
0x47: {  	[sflag:s30] =	ssyncadd.s32 $0xFFFFFF00  }
0x48: {  	_ =	swait.ge [sflag:s30], $0x100  }
0x49: {  	[sflag:s30] =	ssyncset.done $0x0  }
0x4a: {  	[sflag:s30] =	ssyncadd.s32 $0xFFFFFF00  }
0x4b: {  	_ =	swait.ge [sflag:s30], $0x100  }
0x4c: {  	[sflag:s30] =	ssyncset.done $0x0  }
0x4d: {  	[sflag:s30] =	ssyncadd.s32 $0xFFFFFF00  }
0x4e: {  	_ =	swait.ge [sflag:s30], $0x100  }
0x4f: {  	[sflag:s30] =	ssyncset.done $0x0  }
0x50: {  	[sflag:s30] =	ssyncadd.s32 $0xFFFFFF00  }
0x51: {  	_ =	swait.ge [sflag:s30], $0x100  }
0x52: {  	[sflag:s30] =	ssyncset.done $0x0  }
0x53: {  	[sflag:s30] =	ssyncadd.s32 $0xFFFFFF00  }
0x54: {  	_ =	swait.ge [sflag:s30], $0x100  }
0x55: {  	[sflag:s30] =	ssyncset.done $0x0  }
0x56: {  	[sflag:s30] =	ssyncadd.s32 $0xFFFFFF00  }
0x57: {  	_ =	swait.ge [sflag:s30], $0x100  }
0x58: {  	[sflag:s30] =	ssyncset.done $0x0  }
0x59: {  	[sflag:s30] =	ssyncadd.s32 $0xFFFFFF00  }
0x5a: {  	_ =	swait.ge [sflag:s30], $0x100  }
0x5b: {  	[sflag:s30] =	ssyncset.done $0x0  }
0x5c: {  	[sflag:s30] =	ssyncadd.s32 $0xFFFFFF00  }
0x5d: {  	_ =	swait.ge [sflag:s30], $0x100  }
0x5e: {  	[sflag:s30] =	ssyncset.done $0x0  }
0x5f: {  	[sflag:s30] =	ssyncadd.s32 $0xFFFFFF00  }
0x60: {  	_ =	swait.ge [sflag:s30], $0x100  }
0x61: {  	[sflag:s30] =	ssyncset.done $0x0  }
0x62: {  	[sflag:s30] =	ssyncadd.s32 $0xFFFFFF00  }
0x63: {  	_ =	swait.ge [sflag:s30], $0x100  }
0x64: {  	[sflag:s30] =	ssyncset.done $0x0  }
0x65: {  	[sflag:s30] =	ssyncadd.s32 $0xFFFFFF00  }
0x66: {  	_ =	swait.ge [sflag:s30], $0x100  }
0x67: {  	[sflag:s30] =	ssyncset.done $0x0  }
0x68: {  	[sflag:s30] =	ssyncadd.s32 $0xFFFFFF00  }
0x69: {  	_ =	swait.ge [sflag:s30], $0x100  }
0x6a: {  	[sflag:s30] =	ssyncset.done $0x0  }
0x6b: {  	[sflag:s30] =	ssyncadd.s32 $0xFFFFFF00  }
0x6c: {  	_ =	swait.ge [sflag:s30], $0x100  }
0x6d: {  	[sflag:s30] =	ssyncset.done $0x0;
	s5 =	rddreg [dreg:$0xd]  }
0x6e: {  	s1 =	simm.s32 $0x100;
	[sflag:s30] =	ssyncadd.s32 $0xFFFFFF00;
	s0 =	sadd.s32 $0x800, s5  }
.LBB2_2:
0x6f: {  	[hbm4b:s5+s2] =	stream.linear.scatter [tilespmem:s8], [sflag:$0x2], $0x4000, $0x38;
	[tilespmem:$0x4800] =	vst v63  }
0x70: {  	_ =	swait.ge [sflag:s6], $0x4000  }
0x71: {  	s4 =	smov.u32 s1;
	s31 =	rddreg [dreg:$0x2];
	[sflag:s6] =	ssyncset.done $0x0  }
0x72: {  	[sflag:s6] =	ssyncadd.s32 $0xFFFFC000;
	s4 =	sadd.s32 s4, s31  }
0x73: {  	[tilespmem:s2], [sflag:$0x2] =	stream.linear.gather [hbm4b:s4+s2], $0x800, $0x38;
	[tilespmem:$0x4800] =	vst v63  }
0x74: {  	_ =	swait.ge [sflag:s6], $0x800  }
0x75: {  	s4 =	rddreg [dreg:$0xb]  }
0x76: {  	s31 =	rddreg [dreg:$0x9]  }
0x77: {  	[sflag:s6] =	ssyncset.done $0x0;
	s9 =	rddreg [dreg:$0x4]  }
0x78: {  	s10 =	rddreg [dreg:$0x3];
	[sflag:s6] =	ssyncadd.s32 $0xFFFFF800  }
0x79: {  	[tilespmem:s8], [sflag:$0x1] =	stream.indirect.gather [hbm4b:s3+s7], $0x2, s2, s7, $0xb8;
	[tilespmem:$0x4800] =	vst v63  }
0x7a: {  	s11 =	rddreg [dreg:$0x5]  }
0x7b: {  	[tilespmem:s10], [sflag:$0x1] =	stream.indirect.gather [hbm4b:s3+s7], $0x2, s7, s7, $0xb8;
	[tilespmem:$0x4800] =	vst v63  }
0x7c: {  	s12 =	rddreg [dreg:$0x7]  }
0x7d: {  	[tilespmem:s11], [sflag:$0x1] =	stream.indirect.gather [hbm4b:s3+s7], $0x2, s9, s7, $0xb8;
	[tilespmem:$0x4800] =	vst v63  }
0x7e: {  	s10 =	rddreg [dreg:$0x6]  }
0x7f: {  	[tilespmem:s12], [sflag:$0x1] =	stream.indirect.gather [hbm4b:s3+s7], $0x2, s10, s7, $0xb8;
	[tilespmem:$0x4800] =	vst v63  }
0x80: {  	s9 =	rddreg [dreg:$0x8]  }
0x81: {  	[tilespmem:s31], [sflag:$0x1] =	stream.indirect.gather [hbm4b:s3+s7], $0x2, s9, s7, $0xb8;
	[tilespmem:$0x4800] =	vst v63  }
0x82: {  	s10 =	rddreg [dreg:$0xa]  }
0x83: {  	[tilespmem:s4], [sflag:$0x1] =	stream.indirect.gather [hbm4b:s3+s7], $0x2, s10, s7, $0xb8;
	[tilespmem:$0x4800] =	vst v63  }
0x84: {  	s9 =	simm.s32 $0x300;
	s10 =	simm.s32 $0x2000  }
0x85: {  	[tilespmem:s10], [sflag:$0x1] =	stream.indirect.gather [hbm4b:s3+s7], $0x2, s9, s7, $0xb8;
	[tilespmem:$0x4800] =	vst v63  }
0x86: {  	s11 =	simm.s32 $0x380;
	s12 =	simm.s32 $0x2400  }
0x87: {  	[tilespmem:s12], [sflag:$0x1] =	stream.indirect.gather [hbm4b:s3+s7], $0x2, s11, s7, $0xb8;
	[tilespmem:$0x4800] =	vst v63  }
0x88: {  	_ = 	snop  }
0x89: {  	[tilespmem:s14], [sflag:$0x1] =	stream.indirect.gather [hbm4b:s3+s7], $0x2, s13, s7, $0xb8;
	[tilespmem:$0x4800] =	vst v63  }
0x8a: {  	_ = 	snop  }
0x8b: {  	[tilespmem:s16], [sflag:$0x1] =	stream.indirect.gather [hbm4b:s3+s7], $0x2, s15, s7, $0xb8;
	[tilespmem:$0x4800] =	vst v63  }
0x8c: {  	_ = 	snop  }
0x8d: {  	[tilespmem:s18], [sflag:$0x1] =	stream.indirect.gather [hbm4b:s3+s7], $0x2, s17, s7, $0xb8;
	[tilespmem:$0x4800] =	vst v63  }
0x8e: {  	_ = 	snop  }
0x8f: {  	[tilespmem:s20], [sflag:$0x1] =	stream.indirect.gather [hbm4b:s3+s7], $0x2, s19, s7, $0xb8;
	[tilespmem:$0x4800] =	vst v63  }
0x90: {  	_ = 	snop  }
0x91: {  	[tilespmem:s22], [sflag:$0x1] =	stream.indirect.gather [hbm4b:s3+s7], $0x2, s21, s7, $0xb8;
	[tilespmem:$0x4800] =	vst v63  }
0x92: {  	_ = 	snop  }
0x93: {  	[tilespmem:s24], [sflag:$0x1] =	stream.indirect.gather [hbm4b:s3+s7], $0x2, s23, s7, $0xb8;
	[tilespmem:$0x4800] =	vst v63  }
0x94: {  	_ = 	snop  }
0x95: {  	[tilespmem:s26], [sflag:$0x1] =	stream.indirect.gather [hbm4b:s3+s7], $0x2, s25, s7, $0xb8;
	[tilespmem:$0x4800] =	vst v63  }
0x96: {  	_ = 	snop  }
0x97: {  	[tilespmem:s29], [sflag:$0x1] =	stream.indirect.gather [hbm4b:s3+s7], $0x2, s28, s7, $0xb8;
	[tilespmem:$0x4800] =	vst v63  }
0x98: {  	_ =	swait.ge [sflag:s30], $0x100  }
0x99: {  	[sflag:s30] =	ssyncset.done $0x0  }
0x9a: {  	[sflag:s30] =	ssyncadd.s32 $0xFFFFFF00  }
0x9b: {  	_ =	swait.ge [sflag:s30], $0x100  }
0x9c: {  	[sflag:s30] =	ssyncset.done $0x0  }
0x9d: {  	[sflag:s30] =	ssyncadd.s32 $0xFFFFFF00  }
0x9e: {  	_ =	swait.ge [sflag:s30], $0x100  }
0x9f: {  	[sflag:s30] =	ssyncset.done $0x0  }
0xa0: {  	[sflag:s30] =	ssyncadd.s32 $0xFFFFFF00  }
0xa1: {  	_ =	swait.ge [sflag:s30], $0x100  }
0xa2: {  	[sflag:s30] =	ssyncset.done $0x0  }
0xa3: {  	[sflag:s30] =	ssyncadd.s32 $0xFFFFFF00  }
0xa4: {  	_ =	swait.ge [sflag:s30], $0x100  }
0xa5: {  	[sflag:s30] =	ssyncset.done $0x0  }
0xa6: {  	[sflag:s30] =	ssyncadd.s32 $0xFFFFFF00  }
0xa7: {  	_ =	swait.ge [sflag:s30], $0x100  }
0xa8: {  	[sflag:s30] =	ssyncset.done $0x0  }
0xa9: {  	[sflag:s30] =	ssyncadd.s32 $0xFFFFFF00  }
0xaa: {  	_ =	swait.ge [sflag:s30], $0x100  }
0xab: {  	[sflag:s30] =	ssyncset.done $0x0  }
0xac: {  	[sflag:s30] =	ssyncadd.s32 $0xFFFFFF00  }
0xad: {  	_ =	swait.ge [sflag:s30], $0x100  }
0xae: {  	[sflag:s30] =	ssyncset.done $0x0  }
0xaf: {  	[sflag:s30] =	ssyncadd.s32 $0xFFFFFF00  }
0xb0: {  	_ =	swait.ge [sflag:s30], $0x100  }
0xb1: {  	[sflag:s30] =	ssyncset.done $0x0  }
0xb2: {  	[sflag:s30] =	ssyncadd.s32 $0xFFFFFF00  }
0xb3: {  	_ =	swait.ge [sflag:s30], $0x100  }
0xb4: {  	[sflag:s30] =	ssyncset.done $0x0  }
0xb5: {  	[sflag:s30] =	ssyncadd.s32 $0xFFFFFF00  }
0xb6: {  	_ =	swait.ge [sflag:s30], $0x100  }
0xb7: {  	[sflag:s30] =	ssyncset.done $0x0  }
0xb8: {  	[sflag:s30] =	ssyncadd.s32 $0xFFFFFF00  }
0xb9: {  	_ =	swait.ge [sflag:s30], $0x100  }
0xba: {  	[sflag:s30] =	ssyncset.done $0x0  }
0xbb: {  	[sflag:s30] =	ssyncadd.s32 $0xFFFFFF00  }
0xbc: {  	_ =	swait.ge [sflag:s30], $0x100  }
0xbd: {  	[sflag:s30] =	ssyncset.done $0x0  }
0xbe: {  	[sflag:s30] =	ssyncadd.s32 $0xFFFFFF00  }
0xbf: {  	_ =	swait.ge [sflag:s30], $0x100  }
0xc0: {  	[sflag:s30] =	ssyncset.done $0x0  }
0xc1: {  	[sflag:s30] =	ssyncadd.s32 $0xFFFFFF00  }
0xc2: {  	p0 =	sne.s32 s1, $0x1FF00;
	_ =	swait.ge [sflag:s30], $0x100  }
.Ltmp0:
0xc3: {  	[sflag:s30] =	ssyncset.done $0x0;
	(pc) =	sbr.rel @p0 .LBB2_2-.Ltmp0, $4  }
0xc4: {  	[sflag:s30] =	ssyncadd.s32 $0xFFFFFF00  }
0xc5: {  	_ =	swait.ge [sflag:s30], $0x100  }
0xc6: {  	s5 =	smov.u32 s0;
	[sflag:s30] =	ssyncset.done $0x0  }
0xc7: {  	s1 =	sadd.s32 $0x100, s1;
	s0 =	sadd.s32 $0x800, s0;
	[sflag:s30] =	ssyncadd.s32 $0xFFFFFF00  }
0xc8: {  	[hbm4b:s5+s2] =	stream.linear.scatter [tilespmem:s8], [sflag:$0x2], $0x4000, $0x38;
	[tilespmem:$0x4800] =	vst v63  }
0xc9: {  	_ =	swait.ge [sflag:s6], $0x4000  }
0xca: {  	s1 =	rddreg [dreg:$0xe]  }
0xcb: {  	s0 =	rddreg [dreg:$0xc];
	s1 =	sadd.s32 $0x1, s1  }
0xcc: {  	p0 =	sne.s32 s1, s0  }
.Ltmp1:
0xcd: {  	_ = 	snop;
	(pc) =	sbr.rel @p0 .LBB2_1-.Ltmp1, $3  }
0xce: {  	_ =	sdelay $0x1  }
0xcf: {  	[sflag:s6] =	ssyncset.done $0x0  }
0xd0: {  	[sflag:s6] =	ssyncadd.s32 $0xFFFFC000  }
0xd1: {  	_ =	sfence.sel $0x180000  }
0xd2: {  	[bflag:$0x0] =	sbarrier.arrive $0xFFFF  }
0xd3: {  	_ =	strace $0x90000047  }
0xd4: {  	s0 =	stileid.u32;
	[bflag:$0x2] =	sbarrier.arrive $0xFFFF  }
0xd5: {  	p0 =	sne.s32 s0, $0x0;
	s0 =	rddreg [dreg:$0x1]  }
0xd6: {  	s0 =	sadd.s32 @!p0 $0x100000, s0  }
0xd7: {  	[sflag:s0] =	ssyncadd.tile.s32 @!p0 $0x1;
	_ =	shalt  }
.Lfunc_end2:
_tile_overlayer_lowered:
.L_overlay_start_2:
0xd8: {  	(tag) =	ssettag $0x2  }
0xd9: {  	s0 =	rddreg [dreg:$0x0];
	s2 =	stileid.u32  }
0xda: {  	s1 =	rddreg [dreg:$0x1];
	p0 =	sne.s32 s2, $0x0  }
0xdb: {  	s3 =	rddreg [dreg:$0x2];
	[bflag:$0x3] =	sbarrier.arrive $0xFFFF;
	s2 =	simm.s32 @!p0 $0x1C02  }
0xdc: {  	[timem:s3], [sflag:s2] =	dma.local @!p0 [hbm:s0], s1  }
0xdd: {  	s0 =	simm.s32 @!p0 $0x2  }
0xde: {  	_ =	swait.ge @!p0 [sflag:s0], s1  }
0xdf: {  	s1 =	ssub.s32 @!p0 $0x0, s1;
	[sflag:s0] =	ssyncset.done @!p0 $0x0  }
0xe0: {  	[sflag:s0] =	ssyncadd.s32 @!p0 s1  }
0xe1: {  	[bflag:$0x3] =	sbarrier.arrive $0xFFFF  }
0xe2: {  	_ =	shalt  }

</sc_bundles>
